<compile_context>
chip_gen: v7x
topology: tpu7x:2x2x1
jax: 0.10.2.dev20260603
libtpu: 0.0.44.dev20260713+nightly
codegen_flags: <defaults>
</compile_context>

<pallas_src>
import functools

import jax
import jax.numpy as jnp
from jax import lax
from jax.experimental import pallas as pl
from jax.experimental.pallas import tpu as pltpu
from jax.experimental.pallas import tpu_sc as plsc

T = 2048
D = 768
H = 768
E = 16
TOPK = 2
TK = T * TOPK
TM = 256
P = TK + E * TM
NB = P // TM

_NC = 2
_NS = 16
_NW = _NC * _NS


_TOK_PER_W = T // _NW


@functools.cache
def _make_sc_scatter_rows():
    @functools.partial(
        pl.kernel,
        name="sc_scatter_rows",
        out_type=jax.ShapeDtypeStruct((P, D), jnp.float32),
        mesh=plsc.VectorSubcoreMesh(core_axis_name="c", subcore_axis_name="s"),
        scratch_types=[
            pltpu.VMEM((_TOK_PER_W,), jnp.int32),
            pltpu.VMEM((_TOK_PER_W,), jnp.int32),
            pltpu.VMEM((_TOK_PER_W, D), jnp.float32),
            pltpu.SemaphoreType.DMA,
        ],
    )
    def _sc_scatter_rows(hf_hbm, pos0_hbm, pos1_hbm, out_hbm,
                         idx0_v, idx1_v, rows_v, sem):
        wid = lax.axis_index("s") * _NC + lax.axis_index("c")
        base = wid * _TOK_PER_W
        pltpu.sync_copy(pos0_hbm.at[pl.ds(base, _TOK_PER_W)], idx0_v)
        pltpu.sync_copy(pos1_hbm.at[pl.ds(base, _TOK_PER_W)], idx1_v)
        pltpu.sync_copy(hf_hbm.at[pl.ds(base, _TOK_PER_W)], rows_v)
        s0 = pltpu.async_copy(rows_v, out_hbm.at[idx0_v], sem)
        s1 = pltpu.async_copy(rows_v, out_hbm.at[idx1_v], sem)
        s0.wait()
        s1.wait()

    return _sc_scatter_rows


@functools.cache
def _make_sc_gather_outs():
    @functools.partial(
        pl.kernel,
        name="sc_gather_outs",
        out_type=(
            jax.ShapeDtypeStruct((T, D), jnp.float32),
            jax.ShapeDtypeStruct((T, D), jnp.float32),
        ),
        mesh=plsc.VectorSubcoreMesh(core_axis_name="c", subcore_axis_name="s"),
        scratch_types=[
            pltpu.VMEM((_TOK_PER_W,), jnp.int32),
            pltpu.VMEM((_TOK_PER_W,), jnp.int32),
            pltpu.VMEM((2, _TOK_PER_W, D), jnp.float32),
            pltpu.SemaphoreType.DMA,
            pltpu.SemaphoreType.DMA,
        ],
    )
    def _sc_gather_outs(outs_hbm, pos0_hbm, pos1_hbm, g0_hbm, g1_hbm,
                        idx0_v, idx1_v, rows_v, sg, sw):
        wid = lax.axis_index("s") * _NC + lax.axis_index("c")
        base = wid * _TOK_PER_W
        pltpu.sync_copy(pos0_hbm.at[pl.ds(base, _TOK_PER_W)], idx0_v)
        pltpu.sync_copy(pos1_hbm.at[pl.ds(base, _TOK_PER_W)], idx1_v)
        g0 = pltpu.async_copy(outs_hbm.at[idx0_v], rows_v.at[0], sg)
        g1 = pltpu.async_copy(outs_hbm.at[idx1_v], rows_v.at[1], sg)
        g0.wait()
        w0 = pltpu.async_copy(rows_v.at[0],
                              g0_hbm.at[pl.ds(base, _TOK_PER_W)], sw)
        g1.wait()
        w1 = pltpu.async_copy(rows_v.at[1],
                              g1_hbm.at[pl.ds(base, _TOK_PER_W)], sw)
        w0.wait()
        w1.wait()

    return _sc_gather_outs


def _grouped_body(be_ref, bv_ref, x_ref, w1_ref, w3_ref, w2_ref, o_ref):
    @pl.when(bv_ref[pl.program_id(0)] > 0)
    def _():
        x = x_ref[...]
        a1 = lax.dot_general(x, w1_ref[0], (((1,), (1,)), ((), ())),
                             preferred_element_type=jnp.float32)
        a3 = lax.dot_general(x, w3_ref[0], (((1,), (1,)), ((), ())),
                             preferred_element_type=jnp.float32)
        act = a1 * jax.nn.sigmoid(a1) * a3
        o_ref[...] = lax.dot_general(act, w2_ref[0], (((1,), (1,)), ((), ())),
                                     preferred_element_type=jnp.float32)


def _tc_grouped_ffn(block_ex, block_valid, x_sorted, W1, W3, W2):
    spec = pltpu.PrefetchScalarGridSpec(
        num_scalar_prefetch=2,
        grid=(NB,),
        in_specs=[
            pl.BlockSpec((TM, D), lambda b, be, bv: (b, 0)),
            pl.BlockSpec((1, H, D), lambda b, be, bv: (be[b], 0, 0)),
            pl.BlockSpec((1, H, D), lambda b, be, bv: (be[b], 0, 0)),
            pl.BlockSpec((1, D, H), lambda b, be, bv: (be[b], 0, 0)),
        ],
        out_specs=pl.BlockSpec((TM, D), lambda b, be, bv: (b, 0)),
    )
    return pl.pallas_call(
        _grouped_body,
        grid_spec=spec,
        out_shape=jax.ShapeDtypeStruct((P, D), jnp.float32),
        name="tc_grouped_ffn",
        compiler_params=pltpu.CompilerParams(
            dimension_semantics=("arbitrary",)),
    )(block_ex, block_valid, x_sorted, W1, W3, W2)


_TS = 256


def _shared_body(x_ref, w1_ref, w3_ref, w2_ref, g0_ref, g1_ref,
                 cw0_ref, cw1_ref, y_ref):
    x = x_ref[...]
    a1 = lax.dot_general(x, w1_ref[...], (((1,), (1,)), ((), ())),
                         preferred_element_type=jnp.float32)
    a3 = lax.dot_general(x, w3_ref[...], (((1,), (1,)), ((), ())),
                         preferred_element_type=jnp.float32)
    act = a1 * jax.nn.sigmoid(a1) * a3
    y = lax.dot_general(act, w2_ref[...], (((1,), (1,)), ((), ())),
                        preferred_element_type=jnp.float32)
    y_ref[...] = (y + cw0_ref[0, 0, :][:, None] * g0_ref[...]
                  + cw1_ref[0, 0, :][:, None] * g1_ref[...])


def _tc_shared_combine(hf, W1s, W3s, W2s, g0, g1, cw0, cw1):
    return pl.pallas_call(
        _shared_body,
        grid=(T // _TS,),
        in_specs=[
            pl.BlockSpec((_TS, D), lambda i: (i, 0)),
            pl.BlockSpec((H, D), lambda i: (0, 0)),
            pl.BlockSpec((H, D), lambda i: (0, 0)),
            pl.BlockSpec((D, H), lambda i: (0, 0)),
            pl.BlockSpec((_TS, D), lambda i: (i, 0)),
            pl.BlockSpec((_TS, D), lambda i: (i, 0)),
            pl.BlockSpec((1, 1, _TS), lambda i: (i, 0, 0)),
            pl.BlockSpec((1, 1, _TS), lambda i: (i, 0, 0)),
        ],
        out_specs=pl.BlockSpec((_TS, D), lambda i: (i, 0)),
        out_shape=jax.ShapeDtypeStruct((T, D), jnp.float32),
        name="tc_shared_combine",
    )(hf, W1s, W3s, W2s, g0, g1, cw0, cw1)


def _route_body(eb_ref, dst_ref, bex_ref, bval_ref):
    eb = eb_ref[...]
    lane = lax.broadcasted_iota(jnp.int32, (TK, E), 1)
    oh = (eb == lane).astype(jnp.int32)
    c = oh
    k = 1
    while k < TK:
        c = c + jnp.pad(c, ((k, 0), (0, 0)))[:TK]
        k *= 2
    counts = c[TK - 1:TK, :]
    padded = (((counts + TM - 1) // TM) * TM).astype(jnp.float32)
    le = (lax.broadcasted_iota(jnp.int32, (E, E), 0)
          <= lax.broadcasted_iota(jnp.int32, (E, E), 1)).astype(jnp.float32)
    padded_end = lax.dot_general(padded, le, (((1,), (0,)), ((), ())),
                                 preferred_element_type=jnp.float32)
    padded_start = (padded_end - padded).astype(jnp.int32)
    rank = jnp.sum(c * oh, axis=1, keepdims=True) - 1
    startj = jnp.sum(padded_start * oh, axis=1, keepdims=True)
    dst_ref[...] = jnp.broadcast_to(startj + rank, (TK, E))
    bstart = (lax.broadcasted_iota(jnp.int32, (NB, E), 0) * TM
              ).astype(jnp.float32)
    bex = jnp.sum((padded_end <= bstart).astype(jnp.int32),
                  axis=1, keepdims=True)
    bex_ref[...] = jnp.broadcast_to(jnp.minimum(bex, E - 1), (NB, E))
    real_lo = padded_end - padded
    real_hi = real_lo + counts.astype(jnp.float32)
    bval = jnp.sum(((bstart >= real_lo) & (bstart < real_hi)
                    ).astype(jnp.int32), axis=1, keepdims=True)
    bval_ref[...] = jnp.broadcast_to(bval, (NB, E))


def _tc_route_plan(e_bcast):
    return pl.pallas_call(
        _route_body,
        out_shape=(jax.ShapeDtypeStruct((TK, E), jnp.int32),
                   jax.ShapeDtypeStruct((NB, E), jnp.int32),
                   jax.ShapeDtypeStruct((NB, E), jnp.int32)),
        name="tc_route_plan",
    )(e_bcast)


def _route_metadata(ids):
    flat_e = ids.reshape(TK)
    e_bcast = jnp.broadcast_to(flat_e[:, None], (TK, E))
    dst_b, bex_b, bval_b = _tc_route_plan(e_bcast)
    pos = dst_b[:, 0].reshape(T, TOPK)
    return pos, bex_b[:, 0], bval_b[:, 0]


def kernel(h, Wg, W1, W2, W3, W1s, W2s, W3s):
    hf = h.reshape(T, D)
    scores = jax.nn.softmax(hf @ Wg.T, axis=-1)
    v1 = jnp.max(scores, axis=-1)
    a1 = jnp.argmax(scores, axis=-1).astype(jnp.int32)
    masked = jnp.where(
        jax.nn.one_hot(a1, E, dtype=jnp.bool_), -jnp.inf, scores)
    v2 = jnp.max(masked, axis=-1)
    a2 = jnp.argmax(masked, axis=-1).astype(jnp.int32)
    ids = jnp.stack([a1, a2], axis=1)
    vals = jnp.stack([v1, v2], axis=1)
    w = vals / jnp.sum(vals, axis=-1, keepdims=True)

    pos, block_ex, block_valid = _route_metadata(ids)
    pos0 = pos[:, 0].copy()
    pos1 = pos[:, 1].copy()
    cw0 = w[:, 0].reshape(T // _TS, 1, _TS)
    cw1 = w[:, 1].reshape(T // _TS, 1, _TS)

    x_sorted = _make_sc_scatter_rows()(hf, pos0, pos1)
    out_sorted = _tc_grouped_ffn(block_ex, block_valid, x_sorted, W1, W3, W2)
    g0, g1 = _make_sc_gather_outs()(out_sorted, pos0, pos1)
    y = _tc_shared_combine(hf, W1s, W3s, W2s, g0, g1, cw0, cw1)
    return y.reshape(h.shape)

# --- scband reference (transcript-rebuilt; emitter-appended) ---
"""Pipeline reference for scband-moefeed-forward-1657857376778 (READ-ONLY COPY).

The authoritative reference and input builder live on the scoring server;
editing this copy changes nothing except your own understanding.
"""

import jax, jax.numpy as jnp
import numpy as np

B, S, D = 1, 2048, 768
E, K = 16, 2
H = int(D * 1.0)


def _silu(x):
    return x * jax.nn.sigmoid(x)


def _ff(x, w1, w2, w3):
    # torch nn.Linear(in,out,bias=False): y = x @ W.T with W [out,in]
    return (_silu(x @ w1.T) * (x @ w3.T)) @ w2.T


def setup_inputs(seed: int = 0) -> dict:
    key = jax.random.key(seed)
    ks = jax.random.split(key, 8)
    scale = 0.02
    h = jax.random.normal(ks[0], (B, S, D), dtype=jnp.float32)
    Wg = jax.random.normal(ks[1], (E, D), dtype=jnp.float32) * scale
    W1 = jax.random.normal(ks[2], (E, H, D), dtype=jnp.float32) * scale
    W2 = jax.random.normal(ks[3], (E, D, H), dtype=jnp.float32) * scale
    W3 = jax.random.normal(ks[4], (E, H, D), dtype=jnp.float32) * scale
    W1s = jax.random.normal(ks[5], (H, D), dtype=jnp.float32) * scale
    W2s = jax.random.normal(ks[6], (D, H), dtype=jnp.float32) * scale
    W3s = jax.random.normal(ks[7], (H, D), dtype=jnp.float32) * scale
    return {"h": h, "Wg": Wg, "W1": W1, "W2": W2, "W3": W3,
            "W1s": W1s, "W2s": W2s, "W3s": W3s}


def reference(h, Wg, W1, W2, W3, W1s, W2s, W3s):
    b, s, d = h.shape
    # shared expert (dropout is identity in eval)
    shared_y = _ff(h, W1s, W2s, W3s)
    hf = h.reshape(-1, d)  # [T, d]
    # gate: softmax then top-k, renormalize selected scores
    scores = jax.nn.softmax(hf @ Wg.T, axis=-1)  # [T, E]
    vals, ids = jax.lax.top_k(scores, K)  # [T, K]
    weight = vals / jnp.sum(vals, axis=-1, keepdims=True)  # [T, K]
    # per-token per-expert combine weight via one-hot dispatch
    onehot = jax.nn.one_hot(ids, E, dtype=hf.dtype)  # [T, K, E]
    comb = jnp.einsum('tk,tke->te', weight, onehot)  # [T, E]
    # run all experts densely, then mask-combine (math identical to routed loop)
    a1 = jnp.einsum('td,ehd->teh', hf, W1)
    a3 = jnp.einsum('td,ehd->teh', hf, W3)
    act = _silu(a1) * a3
    outs = jnp.einsum('teh,edh->ted', act, W2)  # [T, E, d]
    y = jnp.einsum('ted,te->td', outs, comb).reshape(b, s, d)
    return y + shared_y

if __name__ == "__main__":
    import jax
    _d = setup_inputs()
    print(jax.jit(kernel)(*tuple(_d.values())))

</pallas_src>

<mosaic_0001>
#map = affine_map<(d0, d1) -> (0, 0)>
#map1 = affine_map<(d0, d1) -> (0)>
module attributes {stable_mosaic.version = 14 : i64} {
  func.func @sc_scatter_rows(%arg0: i32, %arg1: i32, %arg2: memref<2048x768xf32, #tpu.memory_space<hbm>>, %arg3: memref<2048xi32, #tpu.memory_space<hbm>>, %arg4: memref<2048xi32, #tpu.memory_space<hbm>>, %arg5: memref<8192x768xf32, #tpu.memory_space<hbm>>, %arg6: memref<64xi32, #tpu.memory_space<vmem>>, %arg7: memref<64xi32, #tpu.memory_space<vmem>>, %arg8: memref<64x768xf32, #tpu.memory_space<vmem>>, %arg9: memref<!tpu.dma_semaphore, #tpu.memory_space<semaphore_mem>>) attributes {dimension_semantics = [#tpu.dimension_semantics<core_parallel>, #tpu.dimension_semantics<subcore_parallel>], iteration_bounds = array<i64: 2, 16>, scalar_prefetch = 0 : i64, scratch_operands = 4 : i64, tpu.core_type = #tpu.core_type<sc_vector_subcore>, window_params = [{transform_indices = #map}, {transform_indices = #map1}, {transform_indices = #map1}, {transform_indices = #map}]} {
    %mul3A = arith.constant 2 : i32
    %mul3A_0 = arith.muli %arg1, %mul3A : i32
    %add3A = arith.addi %mul3A_0, %arg0 : i32
    %mul3A_1 = arith.constant 64 : i32
    %mul3A_2 = arith.muli %add3A, %mul3A_1 : i32
    "tpu.region"() ({
      %run_scoped3A = tpu.sem_alloc : memref<!tpu.dma_semaphore, #tpu.memory_space<semaphore_mem>>
      %dma_start3A_13 = tpu.memref_slice %arg3[%mul3A_2] : memref<2048xi32, #tpu.memory_space<hbm>> -> memref<64xi32, #tpu.memory_space<hbm>>
      %dma_start3A_14 = tpu.memref_slice %arg3[%mul3A_2] : memref<2048xi32, #tpu.memory_space<hbm>> -> memref<64xi32, #tpu.memory_space<hbm>>
      tpu.enqueue_dma source(%dma_start3A_14 : memref<64xi32, #tpu.memory_space<hbm>>) target(%arg6 : memref<64xi32, #tpu.memory_space<vmem>>) target_semaphore(%run_scoped3A : memref<!tpu.dma_semaphore, #tpu.memory_space<semaphore_mem>>)
      %dma_wait3A_15 = tpu.memref_slice %arg3[%mul3A_2] : memref<2048xi32, #tpu.memory_space<hbm>> -> memref<64xi32, #tpu.memory_space<hbm>>
      %dma_wait3A_16 = tpu.memref_slice %arg3[%mul3A_2] : memref<2048xi32, #tpu.memory_space<hbm>> -> memref<64xi32, #tpu.memory_space<hbm>>
      tpu.wait_dma2 semaphore(%run_scoped3A : memref<!tpu.dma_semaphore, #tpu.memory_space<semaphore_mem>>) src(%dma_wait3A_16 : memref<64xi32, #tpu.memory_space<hbm>>) dst(%arg6 : memref<64xi32, #tpu.memory_space<vmem>>)
      tpu.yield
    }) : () -> ()
    "tpu.region"() ({
      %run_scoped3A = tpu.sem_alloc : memref<!tpu.dma_semaphore, #tpu.memory_space<semaphore_mem>>
      %dma_start3A_13 = tpu.memref_slice %arg4[%mul3A_2] : memref<2048xi32, #tpu.memory_space<hbm>> -> memref<64xi32, #tpu.memory_space<hbm>>
      %dma_start3A_14 = tpu.memref_slice %arg4[%mul3A_2] : memref<2048xi32, #tpu.memory_space<hbm>> -> memref<64xi32, #tpu.memory_space<hbm>>
      tpu.enqueue_dma source(%dma_start3A_14 : memref<64xi32, #tpu.memory_space<hbm>>) target(%arg7 : memref<64xi32, #tpu.memory_space<vmem>>) target_semaphore(%run_scoped3A : memref<!tpu.dma_semaphore, #tpu.memory_space<semaphore_mem>>)
      %dma_wait3A_15 = tpu.memref_slice %arg4[%mul3A_2] : memref<2048xi32, #tpu.memory_space<hbm>> -> memref<64xi32, #tpu.memory_space<hbm>>
      %dma_wait3A_16 = tpu.memref_slice %arg4[%mul3A_2] : memref<2048xi32, #tpu.memory_space<hbm>> -> memref<64xi32, #tpu.memory_space<hbm>>
      tpu.wait_dma2 semaphore(%run_scoped3A : memref<!tpu.dma_semaphore, #tpu.memory_space<semaphore_mem>>) src(%dma_wait3A_16 : memref<64xi32, #tpu.memory_space<hbm>>) dst(%arg7 : memref<64xi32, #tpu.memory_space<vmem>>)
      tpu.yield
    }) : () -> ()
    "tpu.region"() ({
      %run_scoped3A = tpu.sem_alloc : memref<!tpu.dma_semaphore, #tpu.memory_space<semaphore_mem>>
      %dma_start3A_13 = arith.constant 0 : i32
      %dma_start3A_14 = tpu.memref_slice %arg2[%mul3A_2, %dma_start3A_13] : memref<2048x768xf32, #tpu.memory_space<hbm>> -> memref<64x768xf32, #tpu.memory_space<hbm>>
      %dma_start3A_15 = arith.constant 0 : i32
      %dma_start3A_16 = tpu.memref_slice %arg2[%mul3A_2, %dma_start3A_15] : memref<2048x768xf32, #tpu.memory_space<hbm>> -> memref<64x768xf32, #tpu.memory_space<hbm>>
      tpu.enqueue_dma source(%dma_start3A_16 : memref<64x768xf32, #tpu.memory_space<hbm>>) target(%arg8 : memref<64x768xf32, #tpu.memory_space<vmem>>) target_semaphore(%run_scoped3A : memref<!tpu.dma_semaphore, #tpu.memory_space<semaphore_mem>>)
      %dma_wait3A_17 = arith.constant 0 : i32
      %dma_wait3A_18 = tpu.memref_slice %arg2[%mul3A_2, %dma_wait3A_17] : memref<2048x768xf32, #tpu.memory_space<hbm>> -> memref<64x768xf32, #tpu.memory_space<hbm>>
      %dma_wait3A_19 = arith.constant 0 : i32
      %dma_wait3A_20 = tpu.memref_slice %arg2[%mul3A_2, %dma_wait3A_19] : memref<2048x768xf32, #tpu.memory_space<hbm>> -> memref<64x768xf32, #tpu.memory_space<hbm>>
      tpu.wait_dma2 semaphore(%run_scoped3A : memref<!tpu.dma_semaphore, #tpu.memory_space<semaphore_mem>>) src(%dma_wait3A_20 : memref<64x768xf32, #tpu.memory_space<hbm>>) dst(%arg8 : memref<64x768xf32, #tpu.memory_space<vmem>>)
      tpu.yield
    }) : () -> ()
    %dma_start3A = arith.constant 0 : i32
    %dma_start3A_3 = arith.constant 0 : i32
    %dma_start3A_4 = tpu.memref_slice %arg5[%dma_start3A, %dma_start3A_3] : memref<8192x768xf32, #tpu.memory_space<hbm>> -> memref<8192x768xf32, #tpu.memory_space<hbm>>
    tpu.enqueue_indirect_dma source(%arg8 : memref<64x768xf32, #tpu.memory_space<vmem>>) target(%dma_start3A_4 : memref<8192x768xf32, #tpu.memory_space<hbm>>) offsets(%arg6 : memref<64xi32, #tpu.memory_space<vmem>>) semaphore(%arg9 : memref<!tpu.dma_semaphore, #tpu.memory_space<semaphore_mem>>)
    %dma_start3A_5 = arith.constant 0 : i32
    %dma_start3A_6 = arith.constant 0 : i32
    %dma_start3A_7 = tpu.memref_slice %arg5[%dma_start3A_5, %dma_start3A_6] : memref<8192x768xf32, #tpu.memory_space<hbm>> -> memref<8192x768xf32, #tpu.memory_space<hbm>>
    tpu.enqueue_indirect_dma source(%arg8 : memref<64x768xf32, #tpu.memory_space<vmem>>) target(%dma_start3A_7 : memref<8192x768xf32, #tpu.memory_space<hbm>>) offsets(%arg7 : memref<64xi32, #tpu.memory_space<vmem>>) semaphore(%arg9 : memref<!tpu.dma_semaphore, #tpu.memory_space<semaphore_mem>>)
    %dma_wait3A = arith.constant 0 : i32
    %dma_wait3A_8 = arith.constant 0 : i32
    %dma_wait3A_9 = tpu.memref_slice %arg5[%dma_wait3A, %dma_wait3A_8] : memref<8192x768xf32, #tpu.memory_space<hbm>> -> memref<8192x768xf32, #tpu.memory_space<hbm>>
    tpu.wait_indirect_dma semaphore(%arg9 : memref<!tpu.dma_semaphore, #tpu.memory_space<semaphore_mem>>) src(%arg8 : memref<64x768xf32, #tpu.memory_space<vmem>>) dst(%dma_wait3A_9 : memref<8192x768xf32, #tpu.memory_space<hbm>>)
    %dma_wait3A_10 = arith.constant 0 : i32
    %dma_wait3A_11 = arith.constant 0 : i32
    %dma_wait3A_12 = tpu.memref_slice %arg5[%dma_wait3A_10, %dma_wait3A_11] : memref<8192x768xf32, #tpu.memory_space<hbm>> -> memref<8192x768xf32, #tpu.memory_space<hbm>>
    tpu.wait_indirect_dma semaphore(%arg9 : memref<!tpu.dma_semaphore, #tpu.memory_space<semaphore_mem>>) src(%arg8 : memref<64x768xf32, #tpu.memory_space<vmem>>) dst(%dma_wait3A_12 : memref<8192x768xf32, #tpu.memory_space<hbm>>)
    return
  }
}

#map = affine_map<(d0, d1) -> (0, 0)>
#map1 = affine_map<(d0, d1) -> (0)>
module attributes {stable_mosaic.version = 14 : i64} {
  func.func @sc_gather_outs(%arg0: i32, %arg1: i32, %arg2: memref<8192x768xf32, #tpu.memory_space<hbm>>, %arg3: memref<2048xi32, #tpu.memory_space<hbm>>, %arg4: memref<2048xi32, #tpu.memory_space<hbm>>, %arg5: memref<2048x768xf32, #tpu.memory_space<hbm>>, %arg6: memref<2048x768xf32, #tpu.memory_space<hbm>>, %arg7: memref<64xi32, #tpu.memory_space<vmem>>, %arg8: memref<64xi32, #tpu.memory_space<vmem>>, %arg9: memref<2x64x768xf32, #tpu.memory_space<vmem>>, %arg10: memref<!tpu.dma_semaphore, #tpu.memory_space<semaphore_mem>>, %arg11: memref<!tpu.dma_semaphore, #tpu.memory_space<semaphore_mem>>) attributes {dimension_semantics = [#tpu.dimension_semantics<core_parallel>, #tpu.dimension_semantics<subcore_parallel>], iteration_bounds = array<i64: 2, 16>, scalar_prefetch = 0 : i64, scratch_operands = 5 : i64, tpu.core_type = #tpu.core_type<sc_vector_subcore>, window_params = [{transform_indices = #map}, {transform_indices = #map1}, {transform_indices = #map1}, {transform_indices = #map}, {transform_indices = #map}]} {
    %mul3A = arith.constant 2 : i32
    %mul3A_0 = arith.muli %arg1, %mul3A : i32
    %add3A = arith.addi %mul3A_0, %arg0 : i32
    %mul3A_1 = arith.constant 64 : i32
    %mul3A_2 = arith.muli %add3A, %mul3A_1 : i32
    "tpu.region"() ({
      %run_scoped3A = tpu.sem_alloc : memref<!tpu.dma_semaphore, #tpu.memory_space<semaphore_mem>>
      %dma_start3A_85 = tpu.memref_slice %arg3[%mul3A_2] : memref<2048xi32, #tpu.memory_space<hbm>> -> memref<64xi32, #tpu.memory_space<hbm>>
      %dma_start3A_86 = tpu.memref_slice %arg3[%mul3A_2] : memref<2048xi32, #tpu.memory_space<hbm>> -> memref<64xi32, #tpu.memory_space<hbm>>
      tpu.enqueue_dma source(%dma_start3A_86 : memref<64xi32, #tpu.memory_space<hbm>>) target(%arg7 : memref<64xi32, #tpu.memory_space<vmem>>) target_semaphore(%run_scoped3A : memref<!tpu.dma_semaphore, #tpu.memory_space<semaphore_mem>>)
      %dma_wait3A_87 = tpu.memref_slice %arg3[%mul3A_2] : memref<2048xi32, #tpu.memory_space<hbm>> -> memref<64xi32, #tpu.memory_space<hbm>>
      %dma_wait3A_88 = tpu.memref_slice %arg3[%mul3A_2] : memref<2048xi32, #tpu.memory_space<hbm>> -> memref<64xi32, #tpu.memory_space<hbm>>
      tpu.wait_dma2 semaphore(%run_scoped3A : memref<!tpu.dma_semaphore, #tpu.memory_space<semaphore_mem>>) src(%dma_wait3A_88 : memref<64xi32, #tpu.memory_space<hbm>>) dst(%arg7 : memref<64xi32, #tpu.memory_space<vmem>>)
      tpu.yield
    }) : () -> ()
    "tpu.region"() ({
      %run_scoped3A = tpu.sem_alloc : memref<!tpu.dma_semaphore, #tpu.memory_space<semaphore_mem>>
      %dma_start3A_85 = tpu.memref_slice %arg4[%mul3A_2] : memref<2048xi32, #tpu.memory_space<hbm>> -> memref<64xi32, #tpu.memory_space<hbm>>
      %dma_start3A_86 = tpu.memref_slice %arg4[%mul3A_2] : memref<2048xi32, #tpu.memory_space<hbm>> -> memref<64xi32, #tpu.memory_space<hbm>>
      tpu.enqueue_dma source(%dma_start3A_86 : memref<64xi32, #tpu.memory_space<hbm>>) target(%arg8 : memref<64xi32, #tpu.memory_space<vmem>>) target_semaphore(%run_scoped3A : memref<!tpu.dma_semaphore, #tpu.memory_space<semaphore_mem>>)
      %dma_wait3A_87 = tpu.memref_slice %arg4[%mul3A_2] : memref<2048xi32, #tpu.memory_space<hbm>> -> memref<64xi32, #tpu.memory_space<hbm>>
      %dma_wait3A_88 = tpu.memref_slice %arg4[%mul3A_2] : memref<2048xi32, #tpu.memory_space<hbm>> -> memref<64xi32, #tpu.memory_space<hbm>>
      tpu.wait_dma2 semaphore(%run_scoped3A : memref<!tpu.dma_semaphore, #tpu.memory_space<semaphore_mem>>) src(%dma_wait3A_88 : memref<64xi32, #tpu.memory_space<hbm>>) dst(%arg8 : memref<64xi32, #tpu.memory_space<vmem>>)
      tpu.yield
    }) : () -> ()
    %dma_start3A = arith.constant 0 : i32
    %dma_start3A_3 = arith.constant 0 : i32
    %dma_start3A_4 = arith.constant 0 : i32
    %dma_start3A_5 = tpu.memref_slice %arg9[%dma_start3A, %dma_start3A_3, %dma_start3A_4] : memref<2x64x768xf32, #tpu.memory_space<vmem>> -> memref<1x64x768xf32, #tpu.memory_space<vmem>>
    %dma_start3A_6 = tpu.memref_squeeze %dma_start3A_5 : memref<1x64x768xf32, #tpu.memory_space<vmem>> -> memref<64x768xf32, #tpu.memory_space<vmem>>
    %dma_start3A_7 = arith.constant 0 : i32
    %dma_start3A_8 = arith.constant 0 : i32
    %dma_start3A_9 = tpu.memref_slice %arg2[%dma_start3A_7, %dma_start3A_8] : memref<8192x768xf32, #tpu.memory_space<hbm>> -> memref<8192x768xf32, #tpu.memory_space<hbm>>
    tpu.enqueue_indirect_dma source(%dma_start3A_9 : memref<8192x768xf32, #tpu.memory_space<hbm>>) target(%dma_start3A_6 : memref<64x768xf32, #tpu.memory_space<vmem>>) offsets(%arg7 : memref<64xi32, #tpu.memory_space<vmem>>) semaphore(%arg10 : memref<!tpu.dma_semaphore, #tpu.memory_space<semaphore_mem>>)
    %dma_start3A_10 = arith.constant 1 : i32
    %dma_start3A_11 = arith.constant 0 : i32
    %dma_start3A_12 = arith.constant 0 : i32
    %dma_start3A_13 = tpu.memref_slice %arg9[%dma_start3A_10, %dma_start3A_11, %dma_start3A_12] : memref<2x64x768xf32, #tpu.memory_space<vmem>> -> memref<1x64x768xf32, #tpu.memory_space<vmem>>
    %dma_start3A_14 = tpu.memref_squeeze %dma_start3A_13 : memref<1x64x768xf32, #tpu.memory_space<vmem>> -> memref<64x768xf32, #tpu.memory_space<vmem>>
    %dma_start3A_15 = arith.constant 0 : i32
    %dma_start3A_16 = arith.constant 0 : i32
    %dma_start3A_17 = tpu.memref_slice %arg2[%dma_start3A_15, %dma_start3A_16] : memref<8192x768xf32, #tpu.memory_space<hbm>> -> memref<8192x768xf32, #tpu.memory_space<hbm>>
    tpu.enqueue_indirect_dma source(%dma_start3A_17 : memref<8192x768xf32, #tpu.memory_space<hbm>>) target(%dma_start3A_14 : memref<64x768xf32, #tpu.memory_space<vmem>>) offsets(%arg8 : memref<64xi32, #tpu.memory_space<vmem>>) semaphore(%arg10 : memref<!tpu.dma_semaphore, #tpu.memory_space<semaphore_mem>>)
    %dma_wait3A = arith.constant 0 : i32
    %dma_wait3A_18 = arith.constant 0 : i32
    %dma_wait3A_19 = arith.constant 0 : i32
    %dma_wait3A_20 = tpu.memref_slice %arg9[%dma_wait3A, %dma_wait3A_18, %dma_wait3A_19] : memref<2x64x768xf32, #tpu.memory_space<vmem>> -> memref<1x64x768xf32, #tpu.memory_space<vmem>>
    %dma_wait3A_21 = tpu.memref_squeeze %dma_wait3A_20 : memref<1x64x768xf32, #tpu.memory_space<vmem>> -> memref<64x768xf32, #tpu.memory_space<vmem>>
    %dma_wait3A_22 = arith.constant 0 : i32
    %dma_wait3A_23 = arith.constant 0 : i32
    %dma_wait3A_24 = tpu.memref_slice %arg2[%dma_wait3A_22, %dma_wait3A_23] : memref<8192x768xf32, #tpu.memory_space<hbm>> -> memref<8192x768xf32, #tpu.memory_space<hbm>>
    tpu.wait_indirect_dma semaphore(%arg10 : memref<!tpu.dma_semaphore, #tpu.memory_space<semaphore_mem>>) src(%dma_wait3A_24 : memref<8192x768xf32, #tpu.memory_space<hbm>>) dst(%dma_wait3A_21 : memref<64x768xf32, #tpu.memory_space<vmem>>)
    %dma_start3A_25 = arith.constant 0 : i32
    %dma_start3A_26 = arith.constant 0 : i32
    %dma_start3A_27 = arith.constant 0 : i32
    %dma_start3A_28 = tpu.memref_slice %arg9[%dma_start3A_25, %dma_start3A_26, %dma_start3A_27] : memref<2x64x768xf32, #tpu.memory_space<vmem>> -> memref<1x64x768xf32, #tpu.memory_space<vmem>>
    %dma_start3A_29 = tpu.memref_squeeze %dma_start3A_28 : memref<1x64x768xf32, #tpu.memory_space<vmem>> -> memref<64x768xf32, #tpu.memory_space<vmem>>
    %dma_start3A_30 = arith.constant 0 : i32
    %dma_start3A_31 = tpu.memref_slice %arg5[%mul3A_2, %dma_start3A_30] : memref<2048x768xf32, #tpu.memory_space<hbm>> -> memref<64x768xf32, #tpu.memory_space<hbm>>
    %dma_start3A_32 = arith.constant 0 : i32
    %dma_start3A_33 = tpu.memref_slice %arg5[%mul3A_2, %dma_start3A_32] : memref<2048x768xf32, #tpu.memory_space<hbm>> -> memref<64x768xf32, #tpu.memory_space<hbm>>
    %dma_start3A_34 = arith.constant 0 : i32
    %dma_start3A_35 = arith.constant 0 : i32
    %dma_start3A_36 = tpu.memref_slice %arg9[%dma_start3A_25, %dma_start3A_34, %dma_start3A_35] : memref<2x64x768xf32, #tpu.memory_space<vmem>> -> memref<1x64x768xf32, #tpu.memory_space<vmem>>
    %dma_start3A_37 = tpu.memref_squeeze %dma_start3A_36 : memref<1x64x768xf32, #tpu.memory_space<vmem>> -> memref<64x768xf32, #tpu.memory_space<vmem>>
    tpu.enqueue_dma source(%dma_start3A_37 : memref<64x768xf32, #tpu.memory_space<vmem>>) target(%dma_start3A_33 : memref<64x768xf32, #tpu.memory_space<hbm>>) target_semaphore(%arg11 : memref<!tpu.dma_semaphore, #tpu.memory_space<semaphore_mem>>)
    %dma_wait3A_38 = arith.constant 1 : i32
    %dma_wait3A_39 = arith.constant 0 : i32
    %dma_wait3A_40 = arith.constant 0 : i32
    %dma_wait3A_41 = tpu.memref_slice %arg9[%dma_wait3A_38, %dma_wait3A_39, %dma_wait3A_40] : memref<2x64x768xf32, #tpu.memory_space<vmem>> -> memref<1x64x768xf32, #tpu.memory_space<vmem>>
    %dma_wait3A_42 = tpu.memref_squeeze %dma_wait3A_41 : memref<1x64x768xf32, #tpu.memory_space<vmem>> -> memref<64x768xf32, #tpu.memory_space<vmem>>
    %dma_wait3A_43 = arith.constant 0 : i32
    %dma_wait3A_44 = arith.constant 0 : i32
    %dma_wait3A_45 = tpu.memref_slice %arg2[%dma_wait3A_43, %dma_wait3A_44] : memref<8192x768xf32, #tpu.memory_space<hbm>> -> memref<8192x768xf32, #tpu.memory_space<hbm>>
    tpu.wait_indirect_dma semaphore(%arg10 : memref<!tpu.dma_semaphore, #tpu.memory_space<semaphore_mem>>) src(%dma_wait3A_45 : memref<8192x768xf32, #tpu.memory_space<hbm>>) dst(%dma_wait3A_42 : memref<64x768xf32, #tpu.memory_space<vmem>>)
    %dma_start3A_46 = arith.constant 1 : i32
    %dma_start3A_47 = arith.constant 0 : i32
    %dma_start3A_48 = arith.constant 0 : i32
    %dma_start3A_49 = tpu.memref_slice %arg9[%dma_start3A_46, %dma_start3A_47, %dma_start3A_48] : memref<2x64x768xf32, #tpu.memory_space<vmem>> -> memref<1x64x768xf32, #tpu.memory_space<vmem>>
    %dma_start3A_50 = tpu.memref_squeeze %dma_start3A_49 : memref<1x64x768xf32, #tpu.memory_space<vmem>> -> memref<64x768xf32, #tpu.memory_space<vmem>>
    %dma_start3A_51 = arith.constant 0 : i32
    %dma_start3A_52 = tpu.memref_slice %arg6[%mul3A_2, %dma_start3A_51] : memref<2048x768xf32, #tpu.memory_space<hbm>> -> memref<64x768xf32, #tpu.memory_space<hbm>>
    %dma_start3A_53 = arith.constant 0 : i32
    %dma_start3A_54 = tpu.memref_slice %arg6[%mul3A_2, %dma_start3A_53] : memref<2048x768xf32, #tpu.memory_space<hbm>> -> memref<64x768xf32, #tpu.memory_space<hbm>>
    %dma_start3A_55 = arith.constant 0 : i32
    %dma_start3A_56 = arith.constant 0 : i32
    %dma_start3A_57 = tpu.memref_slice %arg9[%dma_start3A_46, %dma_start3A_55, %dma_start3A_56] : memref<2x64x768xf32, #tpu.memory_space<vmem>> -> memref<1x64x768xf32, #tpu.memory_space<vmem>>
    %dma_start3A_58 = tpu.memref_squeeze %dma_start3A_57 : memref<1x64x768xf32, #tpu.memory_space<vmem>> -> memref<64x768xf32, #tpu.memory_space<vmem>>
    tpu.enqueue_dma source(%dma_start3A_58 : memref<64x768xf32, #tpu.memory_space<vmem>>) target(%dma_start3A_54 : memref<64x768xf32, #tpu.memory_space<hbm>>) target_semaphore(%arg11 : memref<!tpu.dma_semaphore, #tpu.memory_space<semaphore_mem>>)
    %dma_wait3A_59 = arith.constant 0 : i32
    %dma_wait3A_60 = arith.constant 0 : i32
    %dma_wait3A_61 = arith.constant 0 : i32
    %dma_wait3A_62 = tpu.memref_slice %arg9[%dma_wait3A_59, %dma_wait3A_60, %dma_wait3A_61] : memref<2x64x768xf32, #tpu.memory_space<vmem>> -> memref<1x64x768xf32, #tpu.memory_space<vmem>>
    %dma_wait3A_63 = tpu.memref_squeeze %dma_wait3A_62 : memref<1x64x768xf32, #tpu.memory_space<vmem>> -> memref<64x768xf32, #tpu.memory_space<vmem>>
    %dma_wait3A_64 = arith.constant 0 : i32
    %dma_wait3A_65 = tpu.memref_slice %arg5[%mul3A_2, %dma_wait3A_64] : memref<2048x768xf32, #tpu.memory_space<hbm>> -> memref<64x768xf32, #tpu.memory_space<hbm>>
    %dma_wait3A_66 = arith.constant 0 : i32
    %dma_wait3A_67 = tpu.memref_slice %arg5[%mul3A_2, %dma_wait3A_66] : memref<2048x768xf32, #tpu.memory_space<hbm>> -> memref<64x768xf32, #tpu.memory_space<hbm>>
    %dma_wait3A_68 = arith.constant 0 : i32
    %dma_wait3A_69 = arith.constant 0 : i32
    %dma_wait3A_70 = tpu.memref_slice %arg9[%dma_wait3A_59, %dma_wait3A_68, %dma_wait3A_69] : memref<2x64x768xf32, #tpu.memory_space<vmem>> -> memref<1x64x768xf32, #tpu.memory_space<vmem>>
    %dma_wait3A_71 = tpu.memref_squeeze %dma_wait3A_70 : memref<1x64x768xf32, #tpu.memory_space<vmem>> -> memref<64x768xf32, #tpu.memory_space<vmem>>
    tpu.wait_dma2 semaphore(%arg11 : memref<!tpu.dma_semaphore, #tpu.memory_space<semaphore_mem>>) src(%dma_wait3A_71 : memref<64x768xf32, #tpu.memory_space<vmem>>) dst(%dma_wait3A_67 : memref<64x768xf32, #tpu.memory_space<hbm>>)
    %dma_wait3A_72 = arith.constant 1 : i32
    %dma_wait3A_73 = arith.constant 0 : i32
    %dma_wait3A_74 = arith.constant 0 : i32
    %dma_wait3A_75 = tpu.memref_slice %arg9[%dma_wait3A_72, %dma_wait3A_73, %dma_wait3A_74] : memref<2x64x768xf32, #tpu.memory_space<vmem>> -> memref<1x64x768xf32, #tpu.memory_space<vmem>>
    %dma_wait3A_76 = tpu.memref_squeeze %dma_wait3A_75 : memref<1x64x768xf32, #tpu.memory_space<vmem>> -> memref<64x768xf32, #tpu.memory_space<vmem>>
    %dma_wait3A_77 = arith.constant 0 : i32
    %dma_wait3A_78 = tpu.memref_slice %arg6[%mul3A_2, %dma_wait3A_77] : memref<2048x768xf32, #tpu.memory_space<hbm>> -> memref<64x768xf32, #tpu.memory_space<hbm>>
    %dma_wait3A_79 = arith.constant 0 : i32
    %dma_wait3A_80 = tpu.memref_slice %arg6[%mul3A_2, %dma_wait3A_79] : memref<2048x768xf32, #tpu.memory_space<hbm>> -> memref<64x768xf32, #tpu.memory_space<hbm>>
    %dma_wait3A_81 = arith.constant 0 : i32
    %dma_wait3A_82 = arith.constant 0 : i32
    %dma_wait3A_83 = tpu.memref_slice %arg9[%dma_wait3A_72, %dma_wait3A_81, %dma_wait3A_82] : memref<2x64x768xf32, #tpu.memory_space<vmem>> -> memref<1x64x768xf32, #tpu.memory_space<vmem>>
    %dma_wait3A_84 = tpu.memref_squeeze %dma_wait3A_83 : memref<1x64x768xf32, #tpu.memory_space<vmem>> -> memref<64x768xf32, #tpu.memory_space<vmem>>
    tpu.wait_dma2 semaphore(%arg11 : memref<!tpu.dma_semaphore, #tpu.memory_space<semaphore_mem>>) src(%dma_wait3A_84 : memref<64x768xf32, #tpu.memory_space<vmem>>) dst(%dma_wait3A_80 : memref<64x768xf32, #tpu.memory_space<hbm>>)
    return
  }
}

module attributes {stable_mosaic.version = 14 : i64} {
  func.func @tc_route_plan(%arg0: memref<4096x16xi32, #tpu.memory_space<vmem>>, %arg1: memref<4096x16xi32, #tpu.memory_space<vmem>>, %arg2: memref<32x16xi32, #tpu.memory_space<vmem>>, %arg3: memref<32x16xi32, #tpu.memory_space<vmem>>) attributes {dimension_semantics = [], scalar_prefetch = 0 : i64, scratch_operands = 0 : i64, tpu.core_type = #tpu.core_type<tc>} {
    %get3A = arith.constant 0 : index
    %get3A_0 = arith.constant 0 : index
    %get3A_1 = vector.load %arg0[%get3A, %get3A_0] : memref<4096x16xi32, #tpu.memory_space<vmem>>, vector<4096x16xi32>
    %iota3A = tpu.iota {dimensions = array<i32: 1>} : vector<4096x16xi32>
    %eq3A = arith.cmpi eq, %get3A_1, %iota3A : vector<4096x16xi32>
    %convert_element_type3A = arith.extui %eq3A : vector<4096x16xi1> to vector<4096x16xi32>
    %jit3A = arith.constant 0 : i32
    %pad3A = vector.broadcast %jit3A : i32 to vector<1x16xi32>
    %pad3A_2 = tpu.concatenate %pad3A, %convert_element_type3A in 0 : vector<1x16xi32>, vector<4096x16xi32> -> vector<4097x16xi32>
    %slice3A = vector.extract_strided_slice %pad3A_2 {offsets = [0, 0], sizes = [4096, 16], strides = [1, 1]} : vector<4097x16xi32> to vector<4096x16xi32>
    %add3A = arith.addi %convert_element_type3A, %slice3A : vector<4096x16xi32>
    %jit3A_3 = arith.constant 0 : i32
    %pad3A_4 = vector.broadcast %jit3A_3 : i32 to vector<2x16xi32>
    %pad3A_5 = tpu.concatenate %pad3A_4, %add3A in 0 : vector<2x16xi32>, vector<4096x16xi32> -> vector<4098x16xi32>
    %slice3A_6 = vector.extract_strided_slice %pad3A_5 {offsets = [0, 0], sizes = [4096, 16], strides = [1, 1]} : vector<4098x16xi32> to vector<4096x16xi32>
    %add3A_7 = arith.addi %add3A, %slice3A_6 : vector<4096x16xi32>
    %jit3A_8 = arith.constant 0 : i32
    %pad3A_9 = vector.broadcast %jit3A_8 : i32 to vector<4x16xi32>
    %pad3A_10 = tpu.concatenate %pad3A_9, %add3A_7 in 0 : vector<4x16xi32>, vector<4096x16xi32> -> vector<4100x16xi32>
    %slice3A_11 = vector.extract_strided_slice %pad3A_10 {offsets = [0, 0], sizes = [4096, 16], strides = [1, 1]} : vector<4100x16xi32> to vector<4096x16xi32>
    %add3A_12 = arith.addi %add3A_7, %slice3A_11 : vector<4096x16xi32>
    %jit3A_13 = arith.constant 0 : i32
    %pad3A_14 = vector.broadcast %jit3A_13 : i32 to vector<8x16xi32>
    %pad3A_15 = tpu.concatenate %pad3A_14, %add3A_12 in 0 : vector<8x16xi32>, vector<4096x16xi32> -> vector<4104x16xi32>
    %slice3A_16 = vector.extract_strided_slice %pad3A_15 {offsets = [0, 0], sizes = [4096, 16], strides = [1, 1]} : vector<4104x16xi32> to vector<4096x16xi32>
    %add3A_17 = arith.addi %add3A_12, %slice3A_16 : vector<4096x16xi32>
    %jit3A_18 = arith.constant 0 : i32
    %pad3A_19 = vector.broadcast %jit3A_18 : i32 to vector<16x16xi32>
    %pad3A_20 = tpu.concatenate %pad3A_19, %add3A_17 in 0 : vector<16x16xi32>, vector<4096x16xi32> -> vector<4112x16xi32>
    %slice3A_21 = vector.extract_strided_slice %pad3A_20 {offsets = [0, 0], sizes = [4096, 16], strides = [1, 1]} : vector<4112x16xi32> to vector<4096x16xi32>
    %add3A_22 = arith.addi %add3A_17, %slice3A_21 : vector<4096x16xi32>
    %jit3A_23 = arith.constant 0 : i32
    %pad3A_24 = vector.broadcast %jit3A_23 : i32 to vector<32x16xi32>
    %pad3A_25 = tpu.concatenate %pad3A_24, %add3A_22 in 0 : vector<32x16xi32>, vector<4096x16xi32> -> vector<4128x16xi32>
    %slice3A_26 = vector.extract_strided_slice %pad3A_25 {offsets = [0, 0], sizes = [4096, 16], strides = [1, 1]} : vector<4128x16xi32> to vector<4096x16xi32>
    %add3A_27 = arith.addi %add3A_22, %slice3A_26 : vector<4096x16xi32>
    %jit3A_28 = arith.constant 0 : i32
    %pad3A_29 = vector.broadcast %jit3A_28 : i32 to vector<64x16xi32>
    %pad3A_30 = tpu.concatenate %pad3A_29, %add3A_27 in 0 : vector<64x16xi32>, vector<4096x16xi32> -> vector<4160x16xi32>
    %slice3A_31 = vector.extract_strided_slice %pad3A_30 {offsets = [0, 0], sizes = [4096, 16], strides = [1, 1]} : vector<4160x16xi32> to vector<4096x16xi32>
    %add3A_32 = arith.addi %add3A_27, %slice3A_31 : vector<4096x16xi32>
    %jit3A_33 = arith.constant 0 : i32
    %pad3A_34 = vector.broadcast %jit3A_33 : i32 to vector<128x16xi32>
    %pad3A_35 = tpu.concatenate %pad3A_34, %add3A_32 in 0 : vector<128x16xi32>, vector<4096x16xi32> -> vector<4224x16xi32>
    %slice3A_36 = vector.extract_strided_slice %pad3A_35 {offsets = [0, 0], sizes = [4096, 16], strides = [1, 1]} : vector<4224x16xi32> to vector<4096x16xi32>
    %add3A_37 = arith.addi %add3A_32, %slice3A_36 : vector<4096x16xi32>
    %jit3A_38 = arith.constant 0 : i32
    %pad3A_39 = vector.broadcast %jit3A_38 : i32 to vector<256x16xi32>
    %pad3A_40 = tpu.concatenate %pad3A_39, %add3A_37 in 0 : vector<256x16xi32>, vector<4096x16xi32> -> vector<4352x16xi32>
    %slice3A_41 = vector.extract_strided_slice %pad3A_40 {offsets = [0, 0], sizes = [4096, 16], strides = [1, 1]} : vector<4352x16xi32> to vector<4096x16xi32>
    %add3A_42 = arith.addi %add3A_37, %slice3A_41 : vector<4096x16xi32>
    %jit3A_43 = arith.constant 0 : i32
    %pad3A_44 = vector.broadcast %jit3A_43 : i32 to vector<512x16xi32>
    %pad3A_45 = tpu.concatenate %pad3A_44, %add3A_42 in 0 : vector<512x16xi32>, vector<4096x16xi32> -> vector<4608x16xi32>
    %slice3A_46 = vector.extract_strided_slice %pad3A_45 {offsets = [0, 0], sizes = [4096, 16], strides = [1, 1]} : vector<4608x16xi32> to vector<4096x16xi32>
    %add3A_47 = arith.addi %add3A_42, %slice3A_46 : vector<4096x16xi32>
    %jit3A_48 = arith.constant 0 : i32
    %pad3A_49 = vector.broadcast %jit3A_48 : i32 to vector<1024x16xi32>
    %pad3A_50 = tpu.concatenate %pad3A_49, %add3A_47 in 0 : vector<1024x16xi32>, vector<4096x16xi32> -> vector<5120x16xi32>
    %slice3A_51 = vector.extract_strided_slice %pad3A_50 {offsets = [0, 0], sizes = [4096, 16], strides = [1, 1]} : vector<5120x16xi32> to vector<4096x16xi32>
    %add3A_52 = arith.addi %add3A_47, %slice3A_51 : vector<4096x16xi32>
    %jit3A_53 = arith.constant 0 : i32
    %pad3A_54 = vector.broadcast %jit3A_53 : i32 to vector<2048x16xi32>
    %pad3A_55 = tpu.concatenate %pad3A_54, %add3A_52 in 0 : vector<2048x16xi32>, vector<4096x16xi32> -> vector<6144x16xi32>
    %slice3A_56 = vector.extract_strided_slice %pad3A_55 {offsets = [0, 0], sizes = [4096, 16], strides = [1, 1]} : vector<6144x16xi32> to vector<4096x16xi32>
    %add3A_57 = arith.addi %add3A_52, %slice3A_56 : vector<4096x16xi32>
    %slice3A_58 = vector.extract_strided_slice %add3A_57 {offsets = [4095, 0], sizes = [1, 16], strides = [1, 1]} : vector<4096x16xi32> to vector<1x16xi32>
    %add3A_59 = arith.constant 256 : i32
    %add3A_60 = vector.broadcast %add3A_59 : i32 to vector<1x16xi32>
    %add3A_61 = arith.addi %slice3A_58, %add3A_60 : vector<1x16xi32>
    %sub3A = arith.constant 1 : i32
    %sub3A_62 = vector.broadcast %sub3A : i32 to vector<1x16xi32>
    %sub3A_63 = arith.subi %add3A_61, %sub3A_62 : vector<1x16xi32>
    %jit3A_64 = arith.constant 256 : i32
    %div3A = vector.broadcast %jit3A_64 : i32 to vector<1x16xi32>
    %div3A_65 = arith.divsi %sub3A_63, %div3A : vector<1x16xi32>
    %sign3A = arith.constant 0 : i32
    %sign3A_66 = vector.broadcast %sign3A : i32 to vector<1x16xi32>
    %sign3A_67 = arith.cmpi sgt, %sub3A_63, %sign3A_66 : vector<1x16xi32>
    %sign3A_68 = arith.extui %sign3A_67 : vector<1x16xi1> to vector<1x16xi32>
    %sign3A_69 = arith.constant 0 : i32
    %sign3A_70 = vector.broadcast %sign3A_69 : i32 to vector<1x16xi32>
    %sign3A_71 = arith.cmpi slt, %sub3A_63, %sign3A_70 : vector<1x16xi32>
    %sign3A_72 = arith.extui %sign3A_71 : vector<1x16xi1> to vector<1x16xi32>
    %sign3A_73 = arith.subi %sign3A_68, %sign3A_72 : vector<1x16xi32>
    %sign3A_74 = arith.constant 0 : i32
    %sign3A_75 = arith.cmpi sgt, %jit3A_64, %sign3A_74 : i32
    %sign3A_76 = arith.extui %sign3A_75 : i1 to i32
    %sign3A_77 = arith.constant 0 : i32
    %sign3A_78 = arith.cmpi slt, %jit3A_64, %sign3A_77 : i32
    %sign3A_79 = arith.extui %sign3A_78 : i1 to i32
    %sign3A_80 = arith.subi %sign3A_76, %sign3A_79 : i32
    %ne3A = vector.broadcast %sign3A_80 : i32 to vector<1x16xi32>
    %ne3A_81 = arith.cmpi ne, %sign3A_73, %ne3A : vector<1x16xi32>
    %rem3A = vector.broadcast %jit3A_64 : i32 to vector<1x16xi32>
    %rem3A_82 = arith.remsi %sub3A_63, %rem3A : vector<1x16xi32>
    %ne3A_83 = arith.constant 0 : i32
    %ne3A_84 = vector.broadcast %ne3A_83 : i32 to vector<1x16xi32>
    %ne3A_85 = arith.cmpi ne, %rem3A_82, %ne3A_84 : vector<1x16xi32>
    %and3A = arith.andi %ne3A_81, %ne3A_85 : vector<1x16xi1>
    %sub3A_86 = arith.constant 1 : i32
    %sub3A_87 = vector.broadcast %sub3A_86 : i32 to vector<1x16xi32>
    %sub3A_88 = arith.subi %div3A_65, %sub3A_87 : vector<1x16xi32>
    %select_n3A = arith.select %and3A, %sub3A_88, %div3A_65 : vector<1x16xi1>, vector<1x16xi32>
    %mul3A = arith.constant 256 : i32
    %mul3A_89 = vector.broadcast %mul3A : i32 to vector<1x16xi32>
    %mul3A_90 = arith.muli %select_n3A, %mul3A_89 : vector<1x16xi32>
    %convert_element_type3A_91 = arith.sitofp %mul3A_90 : vector<1x16xi32> to vector<1x16xf32>
    %iota3A_92 = tpu.iota {dimensions = array<i32: 0>} : vector<16x16xi32>
    %iota3A_93 = tpu.iota {dimensions = array<i32: 1>} : vector<16x16xi32>
    %le3A = arith.cmpi sle, %iota3A_92, %iota3A_93 : vector<16x16xi32>
    %convert_element_type3A_94 = arith.extui %le3A : vector<16x16xi1> to vector<16x16xi32>
    %convert_element_type3A_95 = arith.sitofp %convert_element_type3A_94 : vector<16x16xi32> to vector<16x16xf32>
    %dot_general3A = arith.constant dense<0.000000e+00> : vector<1x16xf32>
    %dot_general3A_96 = tpu.matmul %convert_element_type3A_91, %convert_element_type3A_95, %dot_general3A {dimension_numbers = #tpu.dot_dimension_numbers<[1], [0], [0], [1], [0, 0, 1, 1], [], []>, transpose_lhs_hint = false} : vector<1x16xf32>, vector<16x16xf32>, vector<1x16xf32> -> vector<1x16xf32>
    %sub3A_97 = arith.subf %dot_general3A_96, %convert_element_type3A_91 : vector<1x16xf32>
    %convert_element_type3A_98 = arith.fptosi %sub3A_97 : vector<1x16xf32> to vector<1x16xi32>
    %mul3A_99 = arith.muli %add3A_57, %convert_element_type3A : vector<4096x16xi32>
    %reduce_sum3A = arith.constant dense<0> : vector<4096xi32>
    %reduce_sum3A_100 = vector.multi_reduction <add>, %mul3A_99, %reduce_sum3A [1] : vector<4096x16xi32> to vector<4096xi32>
    %broadcast_in_dim3A = vector.shape_cast %reduce_sum3A_100 : vector<4096xi32> to vector<4096x1xi32>
    %sub3A_101 = arith.constant 1 : i32
    %sub3A_102 = vector.broadcast %sub3A_101 : i32 to vector<4096x1xi32>
    %sub3A_103 = arith.subi %broadcast_in_dim3A, %sub3A_102 : vector<4096x1xi32>
    %mul3A_104 = vector.broadcast %convert_element_type3A_98 : vector<1x16xi32> to vector<4096x16xi32>
    %mul3A_105 = arith.muli %mul3A_104, %convert_element_type3A : vector<4096x16xi32>
    %reduce_sum3A_106 = arith.constant dense<0> : vector<4096xi32>
    %reduce_sum3A_107 = vector.multi_reduction <add>, %mul3A_105, %reduce_sum3A_106 [1] : vector<4096x16xi32> to vector<4096xi32>
    %broadcast_in_dim3A_108 = vector.shape_cast %reduce_sum3A_107 : vector<4096xi32> to vector<4096x1xi32>
    %add3A_109 = arith.addi %broadcast_in_dim3A_108, %sub3A_103 : vector<4096x1xi32>
    %broadcast_in_dim3A_110 = vector.shape_cast %add3A_109 : vector<4096x1xi32> to vector<4096x1xi32>
    %broadcast_in_dim3A_111 = vector.broadcast %broadcast_in_dim3A_110 : vector<4096x1xi32> to vector<4096x16xi32>
    %swap3A = arith.constant 0 : index
    %swap3A_112 = arith.constant 0 : index
    %swap3A_113 = vector.load %arg1[%swap3A, %swap3A_112] : memref<4096x16xi32, #tpu.memory_space<vmem>>, vector<4096x16xi32>
    tpu.vector_store %arg1[%swap3A, %swap3A_112], %broadcast_in_dim3A_111 {strides = array<i32>} : memref<4096x16xi32, #tpu.memory_space<vmem>>, vector<4096x16xi32>,
    %iota3A_114 = tpu.iota {dimensions = array<i32: 0>} : vector<32x16xi32>
    %mul3A_115 = arith.constant 256 : i32
    %mul3A_116 = vector.broadcast %mul3A_115 : i32 to vector<32x16xi32>
    %mul3A_117 = arith.muli %iota3A_114, %mul3A_116 : vector<32x16xi32>
    %convert_element_type3A_118 = arith.sitofp %mul3A_117 : vector<32x16xi32> to vector<32x16xf32>
    %le3A_119 = vector.broadcast %dot_general3A_96 : vector<1x16xf32> to vector<32x16xf32>
    %le3A_120 = arith.cmpf ole, %le3A_119, %convert_element_type3A_118 : vector<32x16xf32>
    %convert_element_type3A_121 = arith.extui %le3A_120 : vector<32x16xi1> to vector<32x16xi32>
    %reduce_sum3A_122 = arith.constant dense<0> : vector<32xi32>
    %reduce_sum3A_123 = vector.multi_reduction <add>, %convert_element_type3A_121, %reduce_sum3A_122 [1] : vector<32x16xi32> to vector<32xi32>
    %broadcast_in_dim3A_124 = vector.shape_cast %reduce_sum3A_123 : vector<32xi32> to vector<32x1xi32>
    %min3A = arith.constant 15 : i32
    %min3A_125 = vector.broadcast %min3A : i32 to vector<32x1xi32>
    %min3A_126 = arith.minsi %broadcast_in_dim3A_124, %min3A_125 : vector<32x1xi32>
    %broadcast_in_dim3A_127 = vector.shape_cast %min3A_126 : vector<32x1xi32> to vector<32x1xi32>
    %broadcast_in_dim3A_128 = vector.broadcast %broadcast_in_dim3A_127 : vector<32x1xi32> to vector<32x16xi32>
    %swap3A_129 = arith.constant 0 : index
    %swap3A_130 = arith.constant 0 : index
    %swap3A_131 = vector.load %arg2[%swap3A_129, %swap3A_130] : memref<32x16xi32, #tpu.memory_space<vmem>>, vector<32x16xi32>
    tpu.vector_store %arg2[%swap3A_129, %swap3A_130], %broadcast_in_dim3A_128 {strides = array<i32>} : memref<32x16xi32, #tpu.memory_space<vmem>>, vector<32x16xi32>,
    %sub3A_132 = arith.subf %dot_general3A_96, %convert_element_type3A_91 : vector<1x16xf32>
    %convert_element_type3A_133 = arith.sitofp %slice3A_58 : vector<1x16xi32> to vector<1x16xf32>
    %add3A_134 = arith.addf %sub3A_132, %convert_element_type3A_133 : vector<1x16xf32>
    %ge3A = vector.broadcast %sub3A_132 : vector<1x16xf32> to vector<32x16xf32>
    %ge3A_135 = arith.cmpf oge, %convert_element_type3A_118, %ge3A : vector<32x16xf32>
    %lt3A = vector.broadcast %add3A_134 : vector<1x16xf32> to vector<32x16xf32>
    %lt3A_136 = arith.cmpf olt, %convert_element_type3A_118, %lt3A : vector<32x16xf32>
    %and3A_137 = arith.andi %ge3A_135, %lt3A_136 : vector<32x16xi1>
    %convert_element_type3A_138 = arith.extui %and3A_137 : vector<32x16xi1> to vector<32x16xi32>
    %reduce_sum3A_139 = arith.constant dense<0> : vector<32xi32>
    %reduce_sum3A_140 = vector.multi_reduction <add>, %convert_element_type3A_138, %reduce_sum3A_139 [1] : vector<32x16xi32> to vector<32xi32>
    %broadcast_in_dim3A_141 = vector.shape_cast %reduce_sum3A_140 : vector<32xi32> to vector<32x1xi32>
    %broadcast_in_dim3A_142 = vector.shape_cast %broadcast_in_dim3A_141 : vector<32x1xi32> to vector<32x1xi32>
    %broadcast_in_dim3A_143 = vector.broadcast %broadcast_in_dim3A_142 : vector<32x1xi32> to vector<32x16xi32>
    %swap3A_144 = arith.constant 0 : index
    %swap3A_145 = arith.constant 0 : index
    %swap3A_146 = vector.load %arg3[%swap3A_144, %swap3A_145] : memref<32x16xi32, #tpu.memory_space<vmem>>, vector<32x16xi32>
    tpu.vector_store %arg3[%swap3A_144, %swap3A_145], %broadcast_in_dim3A_143 {strides = array<i32>} : memref<32x16xi32, #tpu.memory_space<vmem>>, vector<32x16xi32>,
    return
  }
}

module attributes {stable_mosaic.version = 14 : i64} {
  func.func @tc_grouped_ffn(%arg0: i32, %arg1: memref<32xi32, #tpu.memory_space<smem>>, %arg2: memref<32xi32, #tpu.memory_space<smem>>, %arg3: memref<256x768xf32, #tpu.memory_space<vmem>>, %arg4: memref<1x768x768xf32, #tpu.memory_space<vmem>>, %arg5: memref<1x768x768xf32, #tpu.memory_space<vmem>>, %arg6: memref<1x768x768xf32, #tpu.memory_space<vmem>>, %arg7: memref<256x768xf32, #tpu.memory_space<vmem>>) attributes {dimension_semantics = [#tpu.dimension_semantics<arbitrary>], iteration_bounds = array<i64: 32>, scalar_prefetch = 2 : i64, scratch_operands = 0 : i64, tpu.core_type = #tpu.core_type<tc>, window_params = [{transform_indices = @transform_0, window_bounds = array<i64: 256, 768>}, {transform_indices = @transform_1, window_bounds = array<i64: 1, 768, 768>}, {transform_indices = @transform_2, window_bounds = array<i64: 1, 768, 768>}, {transform_indices = @transform_3, window_bounds = array<i64: 1, 768, 768>}, {transform_indices = @transform_4, window_bounds = array<i64: 256, 768>}]} {
    %get3A = arith.index_cast %arg0 : i32 to index
    %get3A_0 = memref.load %arg2[%get3A] : memref<32xi32, #tpu.memory_space<smem>>
    %gt3A = arith.constant 0 : i32
    %gt3A_1 = arith.cmpi sgt, %get3A_0, %gt3A : i32
    %convert_element_type3A = arith.extui %gt3A_1 : i1 to i32
    %cond3A = arith.constant 0 : i32
    %cond3A_2 = arith.cmpi ne, %convert_element_type3A, %cond3A : i32
    scf.if %cond3A_2 {
      %get3A_3 = arith.constant 0 : index
      %get3A_4 = arith.constant 0 : index
      %get3A_5 = vector.load %arg3[%get3A_3, %get3A_4] : memref<256x768xf32, #tpu.memory_space<vmem>>, vector<256x768xf32>
      %get3A_6 = arith.constant 0 : index
      %get3A_7 = arith.constant 0 : index
      %get3A_8 = arith.constant 0 : index
      %get3A_9 = vector.load %arg4[%get3A_6, %get3A_7, %get3A_8] : memref<1x768x768xf32, #tpu.memory_space<vmem>>, vector<1x768x768xf32>
      %get3A_10 = vector.shape_cast %get3A_9 : vector<1x768x768xf32> to vector<768x768xf32>
      %dot_general3A = arith.constant dense<0.000000e+00> : vector<256x768xf32>
      %dot_general3A_11 = tpu.matmul %get3A_5, %get3A_10, %dot_general3A {dimension_numbers = #tpu.dot_dimension_numbers<[1], [1], [0], [0], [0, 0, 1, 0], [], []>, transpose_lhs_hint = false} : vector<256x768xf32>, vector<768x768xf32>, vector<256x768xf32> -> vector<256x768xf32>
      %get3A_12 = arith.constant 0 : index
      %get3A_13 = arith.constant 0 : index
      %get3A_14 = arith.constant 0 : index
      %get3A_15 = vector.load %arg5[%get3A_12, %get3A_13, %get3A_14] : memref<1x768x768xf32, #tpu.memory_space<vmem>>, vector<1x768x768xf32>
      %get3A_16 = vector.shape_cast %get3A_15 : vector<1x768x768xf32> to vector<768x768xf32>
      %dot_general3A_17 = arith.constant dense<0.000000e+00> : vector<256x768xf32>
      %dot_general3A_18 = tpu.matmul %get3A_5, %get3A_16, %dot_general3A_17 {dimension_numbers = #tpu.dot_dimension_numbers<[1], [1], [0], [0], [0, 0, 1, 0], [], []>, transpose_lhs_hint = false} : vector<256x768xf32>, vector<768x768xf32>, vector<256x768xf32> -> vector<256x768xf32>
      %logistic3A = arith.negf %dot_general3A_11 : vector<256x768xf32>
      %logistic3A_19 = math.exp %logistic3A : vector<256x768xf32>
      %logistic3A_20 = arith.constant 1.000000e+00 : f32
      %logistic3A_21 = vector.broadcast %logistic3A_20 : f32 to vector<256x768xf32>
      %logistic3A_22 = arith.addf %logistic3A_21, %logistic3A_19 : vector<256x768xf32>
      %logistic3A_23 = arith.divf %logistic3A_21, %logistic3A_22 : vector<256x768xf32>
      %mul3A = arith.mulf %dot_general3A_11, %logistic3A_23 : vector<256x768xf32>
      %mul3A_24 = arith.mulf %mul3A, %dot_general3A_18 : vector<256x768xf32>
      %get3A_25 = arith.constant 0 : index
      %get3A_26 = arith.constant 0 : index
      %get3A_27 = arith.constant 0 : index
      %get3A_28 = vector.load %arg6[%get3A_25, %get3A_26, %get3A_27] : memref<1x768x768xf32, #tpu.memory_space<vmem>>, vector<1x768x768xf32>
      %get3A_29 = vector.shape_cast %get3A_28 : vector<1x768x768xf32> to vector<768x768xf32>
      %dot_general3A_30 = arith.constant dense<0.000000e+00> : vector<256x768xf32>
      %dot_general3A_31 = tpu.matmul %mul3A_24, %get3A_29, %dot_general3A_30 {dimension_numbers = #tpu.dot_dimension_numbers<[1], [1], [0], [0], [0, 0, 1, 0], [], []>, transpose_lhs_hint = false} : vector<256x768xf32>, vector<768x768xf32>, vector<256x768xf32> -> vector<256x768xf32>
      %swap3A = arith.constant 0 : index
      %swap3A_32 = arith.constant 0 : index
      %swap3A_33 = vector.load %arg7[%swap3A, %swap3A_32] : memref<256x768xf32, #tpu.memory_space<vmem>>, vector<256x768xf32>
      tpu.vector_store %arg7[%swap3A, %swap3A_32], %dot_general3A_31 {strides = array<i32>} : memref<256x768xf32, #tpu.memory_space<vmem>>, vector<256x768xf32>,
    } else {
    }
    return
  }
  func.func @transform_0(%arg0: i32, %arg1: memref<32xi32, #tpu.memory_space<smem>>, %arg2: memref<32xi32, #tpu.memory_space<smem>>) -> (i32, i32) {
    %c0_i32 = arith.constant 0 : i32
    %c0_i32_0 = arith.constant 0 : i32
    return %arg0, %c0_i32 : i32, i32
  }
  func.func @transform_1(%arg0: i32, %arg1: memref<32xi32, #tpu.memory_space<smem>>, %arg2: memref<32xi32, #tpu.memory_space<smem>>) -> (i32, i32, i32) {
    %get3A = arith.index_cast %arg0 : i32 to index
    %get3A_0 = memref.load %arg1[%get3A] : memref<32xi32, #tpu.memory_space<smem>>
    %c0_i32 = arith.constant 0 : i32
    %c0_i32_1 = arith.constant 0 : i32
    %c0_i32_2 = arith.constant 0 : i32
    return %get3A_0, %c0_i32, %c0_i32_1 : i32, i32, i32
  }
  func.func @transform_2(%arg0: i32, %arg1: memref<32xi32, #tpu.memory_space<smem>>, %arg2: memref<32xi32, #tpu.memory_space<smem>>) -> (i32, i32, i32) {
    %get3A = arith.index_cast %arg0 : i32 to index
    %get3A_0 = memref.load %arg1[%get3A] : memref<32xi32, #tpu.memory_space<smem>>
    %c0_i32 = arith.constant 0 : i32
    %c0_i32_1 = arith.constant 0 : i32
    %c0_i32_2 = arith.constant 0 : i32
    return %get3A_0, %c0_i32, %c0_i32_1 : i32, i32, i32
  }
  func.func @transform_3(%arg0: i32, %arg1: memref<32xi32, #tpu.memory_space<smem>>, %arg2: memref<32xi32, #tpu.memory_space<smem>>) -> (i32, i32, i32) {
    %get3A = arith.index_cast %arg0 : i32 to index
    %get3A_0 = memref.load %arg1[%get3A] : memref<32xi32, #tpu.memory_space<smem>>
    %c0_i32 = arith.constant 0 : i32
    %c0_i32_1 = arith.constant 0 : i32
    %c0_i32_2 = arith.constant 0 : i32
    return %get3A_0, %c0_i32, %c0_i32_1 : i32, i32, i32
  }
  func.func @transform_4(%arg0: i32, %arg1: memref<32xi32, #tpu.memory_space<smem>>, %arg2: memref<32xi32, #tpu.memory_space<smem>>) -> (i32, i32) {
    %c0_i32 = arith.constant 0 : i32
    %c0_i32_0 = arith.constant 0 : i32
    return %arg0, %c0_i32 : i32, i32
  }
}

module attributes {stable_mosaic.version = 14 : i64} {
  func.func @tc_shared_combine(%arg0: i32, %arg1: memref<256x768xf32, #tpu.memory_space<vmem>>, %arg2: memref<768x768xf32, #tpu.memory_space<vmem>>, %arg3: memref<768x768xf32, #tpu.memory_space<vmem>>, %arg4: memref<768x768xf32, #tpu.memory_space<vmem>>, %arg5: memref<256x768xf32, #tpu.memory_space<vmem>>, %arg6: memref<256x768xf32, #tpu.memory_space<vmem>>, %arg7: memref<1x1x256xf32, #tpu.memory_space<vmem>>, %arg8: memref<1x1x256xf32, #tpu.memory_space<vmem>>, %arg9: memref<256x768xf32, #tpu.memory_space<vmem>>) attributes {dimension_semantics = [#tpu.dimension_semantics<arbitrary>], iteration_bounds = array<i64: 8>, scalar_prefetch = 0 : i64, scratch_operands = 0 : i64, tpu.core_type = #tpu.core_type<tc>, window_params = [{transform_indices = @transform_0, window_bounds = array<i64: 256, 768>}, {pipeline_mode = #tpu.pipeline_mode<synchronous>, transform_indices = @transform_1, window_bounds = array<i64: 768, 768>}, {pipeline_mode = #tpu.pipeline_mode<synchronous>, transform_indices = @transform_2, window_bounds = array<i64: 768, 768>}, {pipeline_mode = #tpu.pipeline_mode<synchronous>, transform_indices = @transform_3, window_bounds = array<i64: 768, 768>}, {transform_indices = @transform_4, window_bounds = array<i64: 256, 768>}, {transform_indices = @transform_5, window_bounds = array<i64: 256, 768>}, {transform_indices = @transform_6, window_bounds = array<i64: 1, 1, 256>}, {transform_indices = @transform_7, window_bounds = array<i64: 1, 1, 256>}, {transform_indices = @transform_8, window_bounds = array<i64: 256, 768>}]} {
    %get3A = arith.constant 0 : index
    %get3A_0 = arith.constant 0 : index
    %get3A_1 = vector.load %arg1[%get3A, %get3A_0] : memref<256x768xf32, #tpu.memory_space<vmem>>, vector<256x768xf32>
    %get3A_2 = arith.constant 0 : index
    %get3A_3 = arith.constant 0 : index
    %get3A_4 = vector.load %arg2[%get3A_2, %get3A_3] : memref<768x768xf32, #tpu.memory_space<vmem>>, vector<768x768xf32>
    %dot_general3A = arith.constant dense<0.000000e+00> : vector<256x768xf32>
    %dot_general3A_5 = tpu.matmul %get3A_1, %get3A_4, %dot_general3A {dimension_numbers = #tpu.dot_dimension_numbers<[1], [1], [0], [0], [0, 0, 1, 0], [], []>, transpose_lhs_hint = false} : vector<256x768xf32>, vector<768x768xf32>, vector<256x768xf32> -> vector<256x768xf32>
    %get3A_6 = arith.constant 0 : index
    %get3A_7 = arith.constant 0 : index
    %get3A_8 = vector.load %arg3[%get3A_6, %get3A_7] : memref<768x768xf32, #tpu.memory_space<vmem>>, vector<768x768xf32>
    %dot_general3A_9 = arith.constant dense<0.000000e+00> : vector<256x768xf32>
    %dot_general3A_10 = tpu.matmul %get3A_1, %get3A_8, %dot_general3A_9 {dimension_numbers = #tpu.dot_dimension_numbers<[1], [1], [0], [0], [0, 0, 1, 0], [], []>, transpose_lhs_hint = false} : vector<256x768xf32>, vector<768x768xf32>, vector<256x768xf32> -> vector<256x768xf32>
    %logistic3A = arith.negf %dot_general3A_5 : vector<256x768xf32>
    %logistic3A_11 = math.exp %logistic3A : vector<256x768xf32>
    %logistic3A_12 = arith.constant 1.000000e+00 : f32
    %logistic3A_13 = vector.broadcast %logistic3A_12 : f32 to vector<256x768xf32>
    %logistic3A_14 = arith.addf %logistic3A_13, %logistic3A_11 : vector<256x768xf32>
    %logistic3A_15 = arith.divf %logistic3A_13, %logistic3A_14 : vector<256x768xf32>
    %mul3A = arith.mulf %dot_general3A_5, %logistic3A_15 : vector<256x768xf32>
    %mul3A_16 = arith.mulf %mul3A, %dot_general3A_10 : vector<256x768xf32>
    %get3A_17 = arith.constant 0 : index
    %get3A_18 = arith.constant 0 : index
    %get3A_19 = vector.load %arg4[%get3A_17, %get3A_18] : memref<768x768xf32, #tpu.memory_space<vmem>>, vector<768x768xf32>
    %dot_general3A_20 = arith.constant dense<0.000000e+00> : vector<256x768xf32>
    %dot_general3A_21 = tpu.matmul %mul3A_16, %get3A_19, %dot_general3A_20 {dimension_numbers = #tpu.dot_dimension_numbers<[1], [1], [0], [0], [0, 0, 1, 0], [], []>, transpose_lhs_hint = false} : vector<256x768xf32>, vector<768x768xf32>, vector<256x768xf32> -> vector<256x768xf32>
    %get3A_22 = arith.constant 0 : index
    %get3A_23 = arith.constant 0 : index
    %get3A_24 = arith.constant 0 : index
    %get3A_25 = vector.load %arg7[%get3A_22, %get3A_23, %get3A_24] : memref<1x1x256xf32, #tpu.memory_space<vmem>>, vector<1x1x256xf32>
    %get3A_26 = vector.shape_cast %get3A_25 : vector<1x1x256xf32> to vector<256xf32>
    %broadcast_in_dim3A = vector.shape_cast %get3A_26 : vector<256xf32> to vector<256x1xf32>
    %get3A_27 = arith.constant 0 : index
    %get3A_28 = arith.constant 0 : index
    %get3A_29 = vector.load %arg5[%get3A_27, %get3A_28] : memref<256x768xf32, #tpu.memory_space<vmem>>, vector<256x768xf32>
    %mul3A_30 = vector.broadcast %broadcast_in_dim3A : vector<256x1xf32> to vector<256x768xf32>
    %mul3A_31 = arith.mulf %mul3A_30, %get3A_29 : vector<256x768xf32>
    %add3A = arith.addf %dot_general3A_21, %mul3A_31 : vector<256x768xf32>
    %get3A_32 = arith.constant 0 : index
    %get3A_33 = arith.constant 0 : index
    %get3A_34 = arith.constant 0 : index
    %get3A_35 = vector.load %arg8[%get3A_32, %get3A_33, %get3A_34] : memref<1x1x256xf32, #tpu.memory_space<vmem>>, vector<1x1x256xf32>
    %get3A_36 = vector.shape_cast %get3A_35 : vector<1x1x256xf32> to vector<256xf32>
    %broadcast_in_dim3A_37 = vector.shape_cast %get3A_36 : vector<256xf32> to vector<256x1xf32>
    %get3A_38 = arith.constant 0 : index
    %get3A_39 = arith.constant 0 : index
    %get3A_40 = vector.load %arg6[%get3A_38, %get3A_39] : memref<256x768xf32, #tpu.memory_space<vmem>>, vector<256x768xf32>
    %mul3A_41 = vector.broadcast %broadcast_in_dim3A_37 : vector<256x1xf32> to vector<256x768xf32>
    %mul3A_42 = arith.mulf %mul3A_41, %get3A_40 : vector<256x768xf32>
    %add3A_43 = arith.addf %add3A, %mul3A_42 : vector<256x768xf32>
    %swap3A = arith.constant 0 : index
    %swap3A_44 = arith.constant 0 : index
    %swap3A_45 = vector.load %arg9[%swap3A, %swap3A_44] : memref<256x768xf32, #tpu.memory_space<vmem>>, vector<256x768xf32>
    tpu.vector_store %arg9[%swap3A, %swap3A_44], %add3A_43 {strides = array<i32>} : memref<256x768xf32, #tpu.memory_space<vmem>>, vector<256x768xf32>,
    return
  }
  func.func @transform_0(%arg0: i32) -> (i32, i32) {
    %c0_i32 = arith.constant 0 : i32
    %c0_i32_0 = arith.constant 0 : i32
    return %arg0, %c0_i32 : i32, i32
  }
  func.func @transform_1(%arg0: i32) -> (i32, i32) {
    %c0_i32 = arith.constant 0 : i32
    %c0_i32_0 = arith.constant 0 : i32
    %c0_i32_1 = arith.constant 0 : i32
    return %c0_i32, %c0_i32_0 : i32, i32
  }
  func.func @transform_2(%arg0: i32) -> (i32, i32) {
    %c0_i32 = arith.constant 0 : i32
    %c0_i32_0 = arith.constant 0 : i32
    %c0_i32_1 = arith.constant 0 : i32
    return %c0_i32, %c0_i32_0 : i32, i32
  }
  func.func @transform_3(%arg0: i32) -> (i32, i32) {
    %c0_i32 = arith.constant 0 : i32
    %c0_i32_0 = arith.constant 0 : i32
    %c0_i32_1 = arith.constant 0 : i32
    return %c0_i32, %c0_i32_0 : i32, i32
  }
  func.func @transform_4(%arg0: i32) -> (i32, i32) {
    %c0_i32 = arith.constant 0 : i32
    %c0_i32_0 = arith.constant 0 : i32
    return %arg0, %c0_i32 : i32, i32
  }
  func.func @transform_5(%arg0: i32) -> (i32, i32) {
    %c0_i32 = arith.constant 0 : i32
    %c0_i32_0 = arith.constant 0 : i32
    return %arg0, %c0_i32 : i32, i32
  }
  func.func @transform_6(%arg0: i32) -> (i32, i32, i32) {
    %c0_i32 = arith.constant 0 : i32
    %c0_i32_0 = arith.constant 0 : i32
    %c0_i32_1 = arith.constant 0 : i32
    return %arg0, %c0_i32, %c0_i32_0 : i32, i32, i32
  }
  func.func @transform_7(%arg0: i32) -> (i32, i32, i32) {
    %c0_i32 = arith.constant 0 : i32
    %c0_i32_0 = arith.constant 0 : i32
    %c0_i32_1 = arith.constant 0 : i32
    return %arg0, %c0_i32, %c0_i32_0 : i32, i32, i32
  }
  func.func @transform_8(%arg0: i32) -> (i32, i32) {
    %c0_i32 = arith.constant 0 : i32
    %c0_i32_0 = arith.constant 0 : i32
    return %arg0, %c0_i32 : i32, i32
  }
}

</mosaic_0001>

<sc_bundles>
// kernel: sc_gather_outs.3.cloned.1.call-start
scs
__scs_entry_jumppad:
0x0: {  	(pc) =	sbr.rel $0x88, $3  }
0x1: {  	(tag) =	ssettag $0x0;
	lr =	simm.s32 $0x1  }
0x2: {  	[smem:$0x3F99] =	sst lr;
	_ =	strace $0xD0000000  }
0x3: {  	_ = 	snop  }
0x4: {  	_ = 	snop  }
0x5: {  	_ = 	snop  }
0x6: {  	_ = 	snop  }
0x7: {  	_ = 	snop  }
__scs_overlays_trampoline_lowered:
0x8: {  	[smem:$0x3FA8] =	sst s0  }
0x9: {  	[smem:$0x3FA9] =	sst s1  }
0xa: {  	[smem:$0x3FAA] =	sst s2  }
0xb: {  	[smem:$0x3FAB] =	sst s3  }
0xc: {  	[smem:$0x3FAC] =	sst s4  }
0xd: {  	[smem:$0x3FAD] =	sst s5  }
0xe: {  	[smem:$0x3FAE] =	sst s6  }
0xf: {  	[smem:$0x3FAF] =	sst s7  }
0x10: {  	[smem:$0x3FB0] =	sst s8  }
0x11: {  	[smem:$0x3FB1] =	sst s9;
	s0 =	simm.s32 @!p0 $0x0  }
0x12: {  	s1 =	sld [smem:$0x3F97];
	s0 =	simm.s32 @p0 $0x1  }
0x13: {  	[smem:$0x3FB2] =	sst s0;
	s0 =	simm.s32 @!p1 $0x0  }
0x14: {  	s2 =	sld [smem:$0x3F96];
	s0 =	simm.s32 @p1 $0x1  }
0x15: {  	[smem:$0x3FB3] =	sst s0;
	s0 =	simm.s32 @!p2 $0x0  }
0x16: {  	s3 =	sld [smem:$0x3FDB];
	s0 =	simm.s32 @p2 $0x1  }
0x17: {  	s4 =	simm.s32 $0x1BF5;
	[smem:$0x3FB5] =	sst s0  }
0x18: {  	s0 =	sld [smem:$0x3F98];
	_ =	swait.ge [sflag:s4], $0x0  }
0x19: {  	s7 =	sld [smem:$0x3F99]  }
0x1a: {  	s8 =	sadd.s32 $0xFFFFE003, lr  }
0x1b: {  	s9 =	sadd.s32 $0xFFFFFEF7, lr;
	s5 =	simm.s32 $0xFFFFFFFF;
	p2 =	slt.u32 s8, $0xFFFFF086  }
0x1c: {  	p1 =	slt.u32 s9, $0xF7A;
	s5 =	simm.s32 @!p2 $0x0  }
0x1d: {  	s5 =	simm.s32 @p1 $0x1;
	p0 =	seq.s32 s7, s2  }
0x1e: {  	s7 =	smul.u32 @!p0 $0xF7A, s2;
	p2 =	seq.s32 @!p0 s5, $0x0  }
0x1f: {  	s9 =	smul.u32 $0xF7A, s1;
	s8 =	simm.s32 @!p0 $0x1BF5;
	p2 =	por !p2, p0  }
0x20: {  	[sflag:s8] =	ssyncset.s32 @!p0 $0xFFFFF086;
	s6 =	sadd.s32 @!p0 s3, s7;
	s7 =	simm.s32 @!p0 $0x108  }
0x21: {  	s3 =	sadd.s32 s3, s9;
	s6 =	sadd.s32 @!p0 $0x88, s6;
	s7 =	simm.s32 @p2 $0x1082  }
0x22: {  	[simem:s7], [sflag:s8] =	dma.local @!p0 [hbm:s6], $0xF7A  }
0x23: {  	s9 =	sor.u32 $0xD0000000, s2;
	s6 =	simm.s32 $0x108;
	_ =	swait.ge @!p0 [sflag:s8], $0x0  }
0x24: {  	s3 =	sadd.s32 $0x88, s3;
	s6 =	simm.s32 @!p1 $0x1082;
	[sflag:s4] =	ssyncset.s32 $0xFFFFF086  }
0x25: {  	[simem:s6], [sflag:s4] =	dma.local [hbm:s3], $0xF7A  }
0x26: {  	[smem:$0x3F99] =	sst s1;
	(tag) =	ssettag s2;
	_ =	strace s9  }
0x27: {  	s1 =	sld [smem:$0x3FA9]  }
0x28: {  	s2 =	sld [smem:$0x3FAA]  }
0x29: {  	s4 =	sld [smem:$0x3FAC]  }
0x2a: {  	p0 =	seq.s32 s5, $0x0;
	s5 =	sld [smem:$0x3FAD]  }
0x2b: {  	s6 =	sld [smem:$0x3FAE]  }
0x2c: {  	s7 =	sld [smem:$0x3FAF]  }
0x2d: {  	s3 =	simm.s32 $0x108;
	s8 =	sld [smem:$0x3FB0]  }
0x2e: {  	s3 =	simm.s32 @!p0 $0x1082;
	s9 =	sld [smem:$0x3FB1]  }
0x2f: {  	lr =	sadd.s32 s0, s3;
	s0 =	sld [smem:$0x3FA8]  }
0x30: {  	s3 =	sld [smem:$0x3FAB]  }
0x31: {  	[smem:$0x3FB4] =	sst s10  }
0x32: {  	s10 =	sld [smem:$0x3FB2];
	_ =	sdelay $0x3  }
0x33: {  	p0 =	seq.s32 s10, $0x1;
	s10 =	sld [smem:$0x3FB4];
	_ =	sdelay $0x3  }
0x34: {  	[smem:$0x3FB4] =	sst s10  }
0x35: {  	s10 =	sld [smem:$0x3FB3];
	_ =	sdelay $0x3  }
0x36: {  	p1 =	seq.s32 s10, $0x1;
	s10 =	sld [smem:$0x3FB4];
	_ =	sdelay $0x3  }
0x37: {  	[smem:$0x3FB4] =	sst s10  }
0x38: {  	s10 =	sld [smem:$0x3FB5]  }
0x39: {  	_ = 	snop;
	(pc) =	sbr.ind lr, $3  }
0x3a: {  	_ = 	snop  }
0x3b: {  	_ = 	snop  }
0x3c: {  	p2 =	seq.s32 s10, $0x1;
	s10 =	sld [smem:$0x3FB4]  }
0x3d: {  	_ =	shalt  }
0x3e: {  	_ =	shalt  }
0x3f: {  	_ =	shalt  }
0x40: {  	_ =	shalt  }
0x41: {  	_ =	shalt  }
0x42: {  	_ =	shalt  }
0x43: {  	_ =	shalt  }
0x44: {  	_ =	shalt  }
0x45: {  	_ =	shalt  }
0x46: {  	_ =	shalt  }
0x47: {  	_ =	shalt  }
0x48: {  	_ =	shalt  }
0x49: {  	_ =	shalt  }
0x4a: {  	_ =	shalt  }
0x4b: {  	_ =	shalt  }
0x4c: {  	_ =	shalt  }
0x4d: {  	_ =	shalt  }
0x4e: {  	_ =	shalt  }
0x4f: {  	_ =	shalt  }
0x50: {  	_ =	shalt  }
0x51: {  	_ =	shalt  }
0x52: {  	_ =	shalt  }
0x53: {  	_ =	shalt  }
0x54: {  	_ =	shalt  }
0x55: {  	_ =	shalt  }
0x56: {  	_ =	shalt  }
0x57: {  	_ =	shalt  }
0x58: {  	_ =	shalt  }
0x59: {  	_ =	shalt  }
0x5a: {  	_ =	shalt  }
0x5b: {  	_ =	shalt  }
0x5c: {  	_ =	shalt  }
0x5d: {  	_ =	shalt  }
0x5e: {  	_ =	shalt  }
0x5f: {  	_ =	shalt  }
0x60: {  	_ =	shalt  }
0x61: {  	_ =	shalt  }
0x62: {  	_ =	shalt  }
0x63: {  	_ =	shalt  }
0x64: {  	_ =	shalt  }
0x65: {  	_ =	shalt  }
0x66: {  	_ =	shalt  }
0x67: {  	_ =	shalt  }
0x68: {  	_ =	shalt  }
0x69: {  	_ =	shalt  }
0x6a: {  	_ =	shalt  }
0x6b: {  	_ =	shalt  }
0x6c: {  	_ =	shalt  }
0x6d: {  	_ =	shalt  }
0x6e: {  	_ =	shalt  }
0x6f: {  	_ =	shalt  }
0x70: {  	_ =	shalt  }
0x71: {  	_ =	shalt  }
0x72: {  	_ =	shalt  }
0x73: {  	_ =	shalt  }
0x74: {  	_ =	shalt  }
0x75: {  	_ =	shalt  }
0x76: {  	_ =	shalt  }
0x77: {  	_ =	shalt  }
0x78: {  	_ =	shalt  }
0x79: {  	_ =	shalt  }
0x7a: {  	_ =	shalt  }
0x7b: {  	_ =	shalt  }
0x7c: {  	_ =	shalt  }
0x7d: {  	_ =	shalt  }
0x7e: {  	_ =	shalt  }
0x7f: {  	_ =	shalt  }
0x80: {  	_ =	shalt  }
0x81: {  	_ =	shalt  }
0x82: {  	_ =	shalt  }
0x83: {  	_ =	shalt  }
0x84: {  	_ =	shalt  }
0x85: {  	_ =	shalt  }
0x86: {  	_ =	shalt  }
0x87: {  	_ =	shalt  }
.Lfunc_end0:
.L_simem_size_0:
called_computation.1_lowered:
.L_overlay_start_0:
0x88: {  	s2 =	sld [smem:$0x3FD9]  }
0x89: {  	s3 =	sld [smem:$0x3FFE];
	_ =	sdelay $0x1  }
0x8a: {  	s1 =	srdreg.scid  }
0x8b: {  	s0 =	sand.u32 $0x1, s1  }
0x8c: {  	s17 =	sshll.u32 s0, $0xA;
	s2 =	sadd.s32 s3, s2  }
0x8d: {  	s2 =	sadd.s32 s2, s17  }
0x8e: {  	[smem:$0x3FC0] =	sst s2  }
0x8f: {  	_ = 	snop  }
0x90: {  	s2 =	sld [smem:$0x3FD0];
	(tm) =	ssettm $0x1  }
0x91: {  	s18 =	sld [smem:$0x3FFB];
	_ =	sdelay $0x3  }
0x92: {  	_ =	strace s18  }
0x93: {  	s3 =	sld [smem:$0x3FFC];
	_ =	sdelay $0x3  }
0x94: {  	_ =	strace s3  }
0x95: {  	s3 =	sld [smem:$0x3FFD];
	_ =	sdelay $0x3  }
0x96: {  	_ =	strace s3  }
0x97: {  	_ =	strace $0x8FFFFFFF  }
0x98: {  	s19 =	sld [smem:$0x3FDB];
	_ =	sdelay $0x1  }
0x99: {  	s4 =	simm.s32 $_scs_section_size  }
0x9a: {  	s5 =	simm.s32 $_size__tile_overlayer_lowered;
	s6 =	simm.s32 $_tile_overlayer_lowered  }
0x9b: {  	s22 =	simm.s32 $0x1BFF;
	s21 =	sshll.u32 s6, $0x1;
	s3 =	sadd.s32 s4, s19  }
0x9c: {  	s7 =	simm.s32 $0x0;
	s20 =	sshll.u32 s5, $0x1;
	s5 =	sadd.s32 s21, s3  }
0x9d: {  	[timem:s7], [sflag:s22] =	dma.local [hbm:s5], s20  }
0x9e: {  	_ =	swait.ge [sflag:s22], s20  }
0x9f: {  	s4 =	ssub.s32 $0x0, s20;
	[sflag:s22] =	ssyncset.done $0x0  }
0xa0: {  	[sflag:s22] =	ssyncadd.s32 s4;
	_ =	sdelay $0x1  }
0xa1: {  	s23 =	simm.s32 $0x1B8B  }
0xa2: {  	_ =	swait.ge [sflag:s23], $0x1  }
0xa3: {  	[sflag:s23] =	ssyncset.done $0x0  }
0xa4: {  	s25 =	simm.s32 $0x1B8E;
	s24 =	sld [smem:$0x3FFE];
	[sflag:s23] =	ssyncadd.s32 $0xFFFFFFFF  }
0xa5: {  	s26 =	simm.s32 $execute0_lowered;
	[smem:$0x3FD2] =	sst s25  }
0xa6: {  	s5 =	sshll.u32 s26, $0x1;
	_ =	strace $0x80000049;
	[dreg:$0x1] =	wrdreg $0xFFFFFFFF  }
0xa7: {  	s28 =	simm.s32 $_size_execute0_lowered;
	s3 =	sadd.s32 s3, s5;
	[dreg:$0x0] =	wrdreg $0x0  }
0xa8: {  	s5 =	sshll.u32 s28, $0x1;
	[dreg:$0x2] =	wrdreg s3  }
0xa9: {  	[dreg:$0x3] =	wrdreg s5  }
0xaa: {  	[dreg:$0x4] =	wrdreg $0xC0  }
0xab: {  	_ =	task [dreg:s7], $0x5FFFF  }
0xac: {  	[dreg:$0x1] =	wrdreg $0xFFFFFFFF  }
0xad: {  	[dreg:$0x0] =	wrdreg $0x60  }
0xae: {  	[dreg:$0x2] =	wrdreg s24  }
0xaf: {  	[dreg:$0x3] =	wrdreg s2  }
0xb0: {  	[dreg:$0x4] =	wrdreg $0x9  }
0xb1: {  	_ =	task.clear_ibuf [dreg:s7], $0x5FFFF;
	_ =	strace $0x90000049  }
0xb2: {  	s29 =	simm.s32 $0x9;
	_ =	strace $0x8000004B  }
0xb3: {  	_ =	swait.ge [sflag:s29], $0x1  }
0xb4: {  	[sflag:s29] =	ssyncadd.s32 $0xFFFFFFFF  }
0xb5: {  	_ =	strace $0x9000004B  }
0xb6: {  	_ =	sfence  }
0xb7: {  	s30 =	sld [smem:$0x0];
	_ =	sdelay $0x2  }
0xb8: {  	s31 =	sshll.u32 s1, $0xD;
	s1 =	sshrl.u32 s1, $0x2  }
0xb9: {  	s3 =	sand.u32 $0x4000, s31;
	s1 =	sadd.s32 s1, s30  }
0xba: {  	s0 =	sor.u32 s3, s0;
	s1 =	sshll.u32 s1, $0x11  }
0xbb: {  	s0 =	sor.u32 s1, s0  }
0xbc: {  	s0 =	sadd.s32 $0x8F2B, s0  }
0xbd: {  	[sflag:s0] =	ssyncadd.remote.s32 $0x1  }
0xbe: {  	_ =	sfence.sel $0xFFFF  }
0xbf: {  	[dreg:$0x0] =	wrdreg $0xFFFFFFFF;
	(pc) =	sbr.abs _section_cstart, $3  }
0xc0: {  	[dreg:$0x1] =	wrdreg $0xFFFFFFFF  }
0xc1: {  	_ =	task.clear_ibuf [dreg:s7], $0x2FFFF;
	_ =	strace $0x9FFFFFFF  }
0xc2: {  	(tm) =	ssettm $0x7FFFFFFF  }
0xc3: {  	_ =	shalt  }
tec
execute0_lowered:
.L_overlay_start_1:
0x0: {  	(tag) =	ssettag $0x1  }
0x1: {  	s2 =	srdreg.scid;
	s1 =	rddreg [dreg:$0x0]  }
0x2: {  	s4 =	rddreg [dreg:$0x1];
	s5 =	sand.u32 $0x1, s2;
	s2 =	simm.s32 $0x0  }
0x3: {  	s20 =	simm.s32 $0x80;
	[smem:$0x7FF] =	sst s2  }
0x4: {  	s21 =	simm.s32 $0x900;
	_ =	strace $0x8000004A;
	[dreg:$0x6] =	wrdreg s20  }
0x5: {  	s22 =	simm.s32 $0x1100;
	[dreg:$0x7] =	wrdreg s21  }
0x6: {  	s23 =	simm.s32 $0x1900;
	[dreg:$0x8] =	wrdreg s22  }
0x7: {  	s24 =	simm.s32 $0x2100;
	[dreg:$0x9] =	wrdreg s23  }
0x8: {  	s25 =	simm.s32 $0x2900;
	[dreg:$0xa] =	wrdreg s24  }
0x9: {  	s0 =	stileid.u32;
	s26 =	simm.s32 $0x3100;
	[dreg:$0xb] =	wrdreg s25  }
0xa: {  	s3 =	sshll.u32 s0, $0x4;
	s0 =	simm.s32 $0x3900;
	[dreg:$0xc] =	wrdreg s26  }
0xb: {  	s9 =	simm.s32 $0x5900;
	[dreg:$0xd] =	wrdreg s0  }
0xc: {  	s10 =	simm.s32 $0x6100;
	[dreg:$0x11] =	wrdreg s9  }
0xd: {  	s11 =	simm.s32 $0x6900;
	[dreg:$0x12] =	wrdreg s10  }
0xe: {  	s12 =	simm.s32 $0x7100;
	[dreg:$0x13] =	wrdreg s11  }
0xf: {  	s13 =	simm.s32 $0x7900;
	[dreg:$0x14] =	wrdreg s12  }
0x10: {  	s14 =	simm.s32 $0x8100;
	s15 =	simm.s32 $0x8900;
	[dreg:$0x15] =	wrdreg s13  }
0x11: {  	s16 =	simm.s32 $0x9100;
	s17 =	simm.s32 $0x9900;
	[dreg:$0x16] =	wrdreg s14  }
0x12: {  	s18 =	simm.s32 $0xA100;
	s28 =	simm.s32 $0x16900;
	[dreg:$0x17] =	wrdreg s15  }
0x13: {  	s29 =	simm.s32 $0x17100;
	s30 =	simm.s32 $0x17900;
	[dreg:$0x18] =	wrdreg s16  }
0x14: {  	s31 =	simm.s32 $0x1;
	s6 =	sshll.u32 s5, $0x3;
	[dreg:$0x19] =	wrdreg s17  }
0x15: {  	s5 =	ssub.s32 $0x2, s5;
	s3 =	sor.u32 s6, s3;
	[dreg:$0x1a] =	wrdreg s18  }
0x16: {  	s20 =	sshrl.u32 s5, $0x1;
	s21 =	simm.s32 $0xB100;
	s22 =	simm.s32 $0xB900  }
0x17: {  	s23 =	simm.s32 $0xC900;
	s24 =	simm.s32 $0xD100;
	s25 =	simm.s32 $0xD900  }
0x18: {  	s26 =	simm.s32 $0xE100;
	s9 =	simm.s32 $0x100;
	[dreg:$0x1c] =	wrdreg s21  }
0x19: {  	s10 =	simm.s32 $0xC100;
	s12 =	simm.s32 $0xF100;
	[dreg:$0x1d] =	wrdreg s22  }
0x1a: {  	s13 =	simm.s32 $0xF900;
	s14 =	simm.s32 $0x10100;
	[dreg:$0x1e] =	wrdreg s23  }
0x1b: {  	s15 =	simm.s32 $0x10900;
	s16 =	simm.s32 $0x11100;
	[dreg:$0x1f] =	wrdreg s24  }
0x1c: {  	s17 =	simm.s32 $0x11900;
	s18 =	simm.s32 $0x12100;
	[smem:$0x7FC] =	sst s25  }
0x1d: {  	s6 =	smul.u32 $0x300, s3;
	s3 =	sadd.s32 s1, s3;
	[smem:$0x7FD] =	sst s26  }
0x1e: {  	s21 =	simm.s32 $0x13900;
	s22 =	simm.s32 $0x14100;
	s23 =	simm.s32 $0x14900  }
0x1f: {  	s24 =	simm.s32 $0x15100;
	s25 =	simm.s32 $0x15900;
	s7 =	sadd.s32 $0x200, s3  }
0x20: {  	s26 =	simm.s32 $0x16100;
	[dreg:$0x3] =	wrdreg s7;
	s4 =	sadd.s32 s4, s6  }
0x21: {  	s8 =	sadd.s32 s6, s1;
	s6 =	simm.s32 $0x4100;
	[dreg:$0x4] =	wrdreg s4  }
0x22: {  	s7 =	simm.s32 $0x4900;
	s19 =	sadd.s32 $0x400, s8;
	[dreg:$0xe] =	wrdreg s6  }
0x23: {  	[dreg:$0xf] =	wrdreg s7;
	s8 =	simm.s32 $0x5100;
	s4 =	sadd.s32 $0xC0400, s1  }
0x24: {  	s7 =	ssub.s32 s5, s20;
	s5 =	sadd.s32 $0xC0500, s1;
	s6 =	sadd.s32 $0xC0600, s1  }
0x25: {  	v2 =	vlaneseq.u32;
	s20 =	simm.s32 $0x13100;
	s1 =	simm.s32 $0x2;
	[dreg:$0x5] =	wrdreg s19  }
0x26: {  	vm0 =	vmmov $0xffff;
	v1 =	vshrl.u32 v2, $0x3;
	[dreg:$0x10] =	wrdreg s8;
	s19 =	simm.s32 $0xA900;
	s7 =	smax.u32 s7, $0x1  }
0x27: {  	v0 =	vand.u32 $0x7, v2;
	v2 =	vor.u32 $0x8, v2;
	v1 =	vmul.u32 $0x8, v1;
	s8 =	simm.s32 $0x3;
	[dreg:$0x1b] =	wrdreg s19;
	s19 =	simm.s32 $0x12900  }
.LBB2_1:
0x28: {  	s0 =	rddreg [dreg:$0x3]  }
0x29: {  	[tilespmem:s2], [sflag:$0x3] =	stream.linear.gather [hbm4b:s0+s2], $0x40, $0x38;
	[tilespmem:$0x18100] =	vst v63  }
0x2a: {  	_ =	swait.ge [sflag:s8], $0x40  }
0x2b: {  	[sflag:s8] =	ssyncset.done $0x0  }
0x2c: {  	s11 =	rddreg [dreg:$0x6];
	[sflag:s8] =	ssyncadd.s32 $0xFFFFFFC0  }
0x2d: {  	[tilespmem:s11], [sflag:$0x3] =	stream.linear.gather [hbm4b:s3+s2], $0x40, $0x38;
	[tilespmem:$0x18100] =	vst v63  }
0x2e: {  	_ =	swait.ge [sflag:s8], $0x40  }
0x2f: {  	[sflag:s8] =	ssyncset.done $0x0  }
0x30: {  	[sflag:s8] =	ssyncadd.s32 $0xFFFFFFC0  }
0x31: {  	v3 =	vld [tilespmem:$0x0];
	_ =	sdelay $0x4  }
0x32: {  	v4 =	vshrl.u32 v3, $0x3  }
0x33: {  	v4 =	vmul.u32 $0x30, v4  }
0x34: {  	v3 =	vand.u32 $0x7, v3  }
0x35: {  	v3 =	vor.u32 v3, v4  }
0x36: {  	v4 =	vperm.xlane v3, v0;
	_ =	sdelay $0x1  }
0x37: {  	v4 =	vadd.s32 v1, v4;
	_ =	sdelay $0x3  }
0x38: {  	v3 =	vperm.xlane v3, v2  }
0x39: {  	[tilespmem:s9], [sflag:$0x1] =	stream.indirect_vreg.gather [hbm4b:s4+s2], $0x80, v4, vm0, $0xb8;
	[tilespmem:$0x18100] =	vst v63  }
0x3a: {  	s0 =	rddreg [dreg:$0x7];
	v3 =	vadd.s32 v1, v3  }
0x3b: {  	[tilespmem:s0], [sflag:$0x1] =	stream.indirect_vreg.gather [hbm4b:s5+s2], $0x80, v4, vm0, $0xb8;
	[tilespmem:$0x18100] =	vst v63  }
0x3c: {  	s11 =	rddreg [dreg:$0x8]  }
0x3d: {  	[tilespmem:s11], [sflag:$0x1] =	stream.indirect_vreg.gather [hbm4b:s6+s2], $0x80, v4, vm0, $0xb8;
	[tilespmem:$0x18100] =	vst v63  }
0x3e: {  	s0 =	rddreg [dreg:$0x9]  }
0x3f: {  	[tilespmem:s0], [sflag:$0x1] =	stream.indirect_vreg.gather [hbm4b:s4+s2], $0x80, v3, vm0, $0xb8;
	[tilespmem:$0x18100] =	vst v63  }
0x40: {  	s11 =	rddreg [dreg:$0xa]  }
0x41: {  	[tilespmem:s11], [sflag:$0x1] =	stream.indirect_vreg.gather [hbm4b:s5+s2], $0x80, v3, vm0, $0xb8;
	[tilespmem:$0x18100] =	vst v63  }
0x42: {  	s0 =	rddreg [dreg:$0xb]  }
0x43: {  	[tilespmem:s0], [sflag:$0x1] =	stream.indirect_vreg.gather [hbm4b:s6+s2], $0x80, v3, vm0, $0xb8;
	[tilespmem:$0x18100] =	vst v63  }
0x44: {  	v3 =	vld [tilespmem:$0x10];
	_ =	sdelay $0x4  }
0x45: {  	v57 =	vshrl.u32 v3, $0x3  }
0x46: {  	v4 =	vmul.u32 $0x30, v57  }
0x47: {  	v3 =	vand.u32 $0x7, v3  }
0x48: {  	v3 =	vor.u32 v3, v4  }
0x49: {  	v4 =	vperm.xlane v3, v0;
	_ =	sdelay $0x1  }
0x4a: {  	v4 =	vadd.s32 v1, v4;
	_ =	sdelay $0x3  }
0x4b: {  	s0 =	rddreg [dreg:$0xc];
	v3 =	vperm.xlane v3, v2  }
0x4c: {  	[tilespmem:s0], [sflag:$0x1] =	stream.indirect_vreg.gather [hbm4b:s4+s2], $0x80, v4, vm0, $0xb8;
	[tilespmem:$0x18100] =	vst v63  }
0x4d: {  	s11 =	rddreg [dreg:$0xd];
	v3 =	vadd.s32 v1, v3  }
0x4e: {  	[tilespmem:s11], [sflag:$0x1] =	stream.indirect_vreg.gather [hbm4b:s5+s2], $0x80, v4, vm0, $0xb8;
	[tilespmem:$0x18100] =	vst v63  }
0x4f: {  	s0 =	rddreg [dreg:$0xe]  }
0x50: {  	[tilespmem:s0], [sflag:$0x1] =	stream.indirect_vreg.gather [hbm4b:s6+s2], $0x80, v4, vm0, $0xb8;
	[tilespmem:$0x18100] =	vst v63  }
0x51: {  	s11 =	rddreg [dreg:$0xf]  }
0x52: {  	[tilespmem:s11], [sflag:$0x1] =	stream.indirect_vreg.gather [hbm4b:s4+s2], $0x80, v3, vm0, $0xb8;
	[tilespmem:$0x18100] =	vst v63  }
0x53: {  	s0 =	rddreg [dreg:$0x10]  }
0x54: {  	[tilespmem:s0], [sflag:$0x1] =	stream.indirect_vreg.gather [hbm4b:s5+s2], $0x80, v3, vm0, $0xb8;
	[tilespmem:$0x18100] =	vst v63  }
0x55: {  	s11 =	rddreg [dreg:$0x11]  }
0x56: {  	[tilespmem:s11], [sflag:$0x1] =	stream.indirect_vreg.gather [hbm4b:s6+s2], $0x80, v3, vm0, $0xb8;
	[tilespmem:$0x18100] =	vst v63  }
0x57: {  	v3 =	vld [tilespmem:$0x20];
	_ =	sdelay $0x4  }
0x58: {  	v58 =	vshrl.u32 v3, $0x3  }
0x59: {  	v4 =	vmul.u32 $0x30, v58  }
0x5a: {  	v3 =	vand.u32 $0x7, v3  }
0x5b: {  	v3 =	vor.u32 v3, v4  }
0x5c: {  	v4 =	vperm.xlane v3, v0;
	_ =	sdelay $0x1  }
0x5d: {  	v4 =	vadd.s32 v1, v4;
	_ =	sdelay $0x3  }
0x5e: {  	s0 =	rddreg [dreg:$0x12];
	v3 =	vperm.xlane v3, v2  }
0x5f: {  	[tilespmem:s0], [sflag:$0x1] =	stream.indirect_vreg.gather [hbm4b:s4+s2], $0x80, v4, vm0, $0xb8;
	[tilespmem:$0x18100] =	vst v63  }
0x60: {  	s11 =	rddreg [dreg:$0x13];
	v3 =	vadd.s32 v1, v3  }
0x61: {  	[tilespmem:s11], [sflag:$0x1] =	stream.indirect_vreg.gather [hbm4b:s5+s2], $0x80, v4, vm0, $0xb8;
	[tilespmem:$0x18100] =	vst v63  }
0x62: {  	s0 =	rddreg [dreg:$0x14]  }
0x63: {  	[tilespmem:s0], [sflag:$0x1] =	stream.indirect_vreg.gather [hbm4b:s6+s2], $0x80, v4, vm0, $0xb8;
	[tilespmem:$0x18100] =	vst v63  }
0x64: {  	s11 =	rddreg [dreg:$0x15]  }
0x65: {  	[tilespmem:s11], [sflag:$0x1] =	stream.indirect_vreg.gather [hbm4b:s4+s2], $0x80, v3, vm0, $0xb8;
	[tilespmem:$0x18100] =	vst v63  }
0x66: {  	s0 =	rddreg [dreg:$0x16]  }
0x67: {  	[tilespmem:s0], [sflag:$0x1] =	stream.indirect_vreg.gather [hbm4b:s5+s2], $0x80, v3, vm0, $0xb8;
	[tilespmem:$0x18100] =	vst v63  }
0x68: {  	s11 =	rddreg [dreg:$0x17]  }
0x69: {  	[tilespmem:s11], [sflag:$0x1] =	stream.indirect_vreg.gather [hbm4b:s6+s2], $0x80, v3, vm0, $0xb8;
	[tilespmem:$0x18100] =	vst v63  }
0x6a: {  	v3 =	vld [tilespmem:$0x30];
	_ =	sdelay $0x4  }
0x6b: {  	v59 =	vshrl.u32 v3, $0x3  }
0x6c: {  	v4 =	vmul.u32 $0x30, v59  }
0x6d: {  	v3 =	vand.u32 $0x7, v3  }
0x6e: {  	v3 =	vor.u32 v3, v4  }
0x6f: {  	v4 =	vperm.xlane v3, v0;
	_ =	sdelay $0x1  }
0x70: {  	v4 =	vadd.s32 v1, v4;
	_ =	sdelay $0x3  }
0x71: {  	s0 =	rddreg [dreg:$0x18];
	v3 =	vperm.xlane v3, v2  }
0x72: {  	[tilespmem:s0], [sflag:$0x1] =	stream.indirect_vreg.gather [hbm4b:s4+s2], $0x80, v4, vm0, $0xb8;
	[tilespmem:$0x18100] =	vst v63  }
0x73: {  	s11 =	rddreg [dreg:$0x19];
	v3 =	vadd.s32 v1, v3  }
0x74: {  	[tilespmem:s11], [sflag:$0x1] =	stream.indirect_vreg.gather [hbm4b:s5+s2], $0x80, v4, vm0, $0xb8;
	[tilespmem:$0x18100] =	vst v63  }
0x75: {  	s0 =	rddreg [dreg:$0x1a]  }
0x76: {  	[tilespmem:s0], [sflag:$0x1] =	stream.indirect_vreg.gather [hbm4b:s6+s2], $0x80, v4, vm0, $0xb8;
	[tilespmem:$0x18100] =	vst v63  }
0x77: {  	s11 =	rddreg [dreg:$0x1b]  }
0x78: {  	[tilespmem:s11], [sflag:$0x1] =	stream.indirect_vreg.gather [hbm4b:s4+s2], $0x80, v3, vm0, $0xb8;
	[tilespmem:$0x18100] =	vst v63  }
0x79: {  	s0 =	rddreg [dreg:$0x1c]  }
0x7a: {  	[tilespmem:s0], [sflag:$0x1] =	stream.indirect_vreg.gather [hbm4b:s5+s2], $0x80, v3, vm0, $0xb8;
	[tilespmem:$0x18100] =	vst v63  }
0x7b: {  	s11 =	rddreg [dreg:$0x1d]  }
0x7c: {  	[tilespmem:s11], [sflag:$0x1] =	stream.indirect_vreg.gather [hbm4b:s6+s2], $0x80, v3, vm0, $0xb8;
	[tilespmem:$0x18100] =	vst v63  }
0x7d: {  	v3 =	vld [tilespmem:$0x80];
	_ =	sdelay $0x4  }
0x7e: {  	v60 =	vshrl.u32 v3, $0x3  }
0x7f: {  	v4 =	vmul.u32 $0x30, v60  }
0x80: {  	v3 =	vand.u32 $0x7, v3  }
0x81: {  	v3 =	vor.u32 v3, v4  }
0x82: {  	v4 =	vperm.xlane v3, v0;
	_ =	sdelay $0x1  }
0x83: {  	v4 =	vadd.s32 v1, v4;
	_ =	sdelay $0x3  }
0x84: {  	s0 =	rddreg [dreg:$0x1e];
	v3 =	vperm.xlane v3, v2  }
0x85: {  	[tilespmem:s10], [sflag:$0x1] =	stream.indirect_vreg.gather [hbm4b:s4+s2], $0x80, v4, vm0, $0xb8;
	[tilespmem:$0x18100] =	vst v63  }
0x86: {  	s11 =	rddreg [dreg:$0x1f];
	v3 =	vadd.s32 v1, v3  }
0x87: {  	[tilespmem:s0], [sflag:$0x1] =	stream.indirect_vreg.gather [hbm4b:s5+s2], $0x80, v4, vm0, $0xb8;
	[tilespmem:$0x18100] =	vst v63  }
0x88: {  	s0 =	sld [smem:$0x7FC]  }
0x89: {  	[tilespmem:s11], [sflag:$0x1] =	stream.indirect_vreg.gather [hbm4b:s6+s2], $0x80, v4, vm0, $0xb8;
	[tilespmem:$0x18100] =	vst v63  }
0x8a: {  	s11 =	sld [smem:$0x7FD]  }
0x8b: {  	[tilespmem:s0], [sflag:$0x1] =	stream.indirect_vreg.gather [hbm4b:s4+s2], $0x80, v3, vm0, $0xb8;
	[tilespmem:$0x18100] =	vst v63  }
0x8c: {  	_ = 	snop  }
0x8d: {  	[tilespmem:s11], [sflag:$0x1] =	stream.indirect_vreg.gather [hbm4b:s5+s2], $0x80, v3, vm0, $0xb8;
	[tilespmem:$0x18100] =	vst v63  }
0x8e: {  	s11 =	simm.s32 $0xE900  }
0x8f: {  	[tilespmem:s11], [sflag:$0x1] =	stream.indirect_vreg.gather [hbm4b:s6+s2], $0x80, v3, vm0, $0xb8;
	[tilespmem:$0x18100] =	vst v63  }
0x90: {  	v3 =	vld [tilespmem:$0x90];
	_ =	sdelay $0x4  }
0x91: {  	v61 =	vshrl.u32 v3, $0x3  }
0x92: {  	v4 =	vmul.u32 $0x30, v61  }
0x93: {  	v3 =	vand.u32 $0x7, v3  }
0x94: {  	v3 =	vor.u32 v3, v4  }
0x95: {  	v4 =	vperm.xlane v3, v0;
	_ =	sdelay $0x1  }
0x96: {  	v4 =	vadd.s32 v1, v4;
	_ =	sdelay $0x3  }
0x97: {  	v3 =	vperm.xlane v3, v2  }
0x98: {  	[tilespmem:s12], [sflag:$0x1] =	stream.indirect_vreg.gather [hbm4b:s4+s2], $0x80, v4, vm0, $0xb8;
	[tilespmem:$0x18100] =	vst v63  }
0x99: {  	v3 =	vadd.s32 v1, v3  }
0x9a: {  	[tilespmem:s13], [sflag:$0x1] =	stream.indirect_vreg.gather [hbm4b:s5+s2], $0x80, v4, vm0, $0xb8;
	[tilespmem:$0x18100] =	vst v63  }
0x9b: {  	_ = 	snop  }
0x9c: {  	[tilespmem:s14], [sflag:$0x1] =	stream.indirect_vreg.gather [hbm4b:s6+s2], $0x80, v4, vm0, $0xb8;
	[tilespmem:$0x18100] =	vst v63  }
0x9d: {  	_ = 	snop  }
0x9e: {  	[tilespmem:s15], [sflag:$0x1] =	stream.indirect_vreg.gather [hbm4b:s4+s2], $0x80, v3, vm0, $0xb8;
	[tilespmem:$0x18100] =	vst v63  }
0x9f: {  	_ = 	snop  }
0xa0: {  	[tilespmem:s16], [sflag:$0x1] =	stream.indirect_vreg.gather [hbm4b:s5+s2], $0x80, v3, vm0, $0xb8;
	[tilespmem:$0x18100] =	vst v63  }
0xa1: {  	_ = 	snop  }
0xa2: {  	[tilespmem:s17], [sflag:$0x1] =	stream.indirect_vreg.gather [hbm4b:s6+s2], $0x80, v3, vm0, $0xb8;
	[tilespmem:$0x18100] =	vst v63  }
0xa3: {  	v3 =	vld [tilespmem:$0xA0];
	_ =	sdelay $0x4  }
0xa4: {  	v62 =	vshrl.u32 v3, $0x3  }
0xa5: {  	v4 =	vmul.u32 $0x30, v62  }
0xa6: {  	v3 =	vand.u32 $0x7, v3  }
0xa7: {  	v3 =	vor.u32 v3, v4  }
0xa8: {  	v4 =	vperm.xlane v3, v0;
	_ =	sdelay $0x1  }
0xa9: {  	v4 =	vadd.s32 v1, v4;
	_ =	sdelay $0x3  }
0xaa: {  	v3 =	vperm.xlane v3, v2  }
0xab: {  	[tilespmem:s18], [sflag:$0x1] =	stream.indirect_vreg.gather [hbm4b:s4+s2], $0x80, v4, vm0, $0xb8;
	[tilespmem:$0x18100] =	vst v63  }
0xac: {  	v3 =	vadd.s32 v1, v3  }
0xad: {  	[tilespmem:s19], [sflag:$0x1] =	stream.indirect_vreg.gather [hbm4b:s5+s2], $0x80, v4, vm0, $0xb8;
	[tilespmem:$0x18100] =	vst v63  }
0xae: {  	_ = 	snop  }
0xaf: {  	[tilespmem:s20], [sflag:$0x1] =	stream.indirect_vreg.gather [hbm4b:s6+s2], $0x80, v4, vm0, $0xb8;
	[tilespmem:$0x18100] =	vst v63  }
0xb0: {  	_ = 	snop  }
0xb1: {  	[tilespmem:s21], [sflag:$0x1] =	stream.indirect_vreg.gather [hbm4b:s4+s2], $0x80, v3, vm0, $0xb8;
	[tilespmem:$0x18100] =	vst v63  }
0xb2: {  	_ = 	snop  }
0xb3: {  	[tilespmem:s22], [sflag:$0x1] =	stream.indirect_vreg.gather [hbm4b:s5+s2], $0x80, v3, vm0, $0xb8;
	[tilespmem:$0x18100] =	vst v63  }
0xb4: {  	_ = 	snop  }
0xb5: {  	[tilespmem:s23], [sflag:$0x1] =	stream.indirect_vreg.gather [hbm4b:s6+s2], $0x80, v3, vm0, $0xb8;
	[tilespmem:$0x18100] =	vst v63  }
0xb6: {  	v3 =	vld [tilespmem:$0xB0];
	_ =	sdelay $0x4  }
0xb7: {  	v63 =	vshrl.u32 v3, $0x3  }
0xb8: {  	v4 =	vmul.u32 $0x30, v63  }
0xb9: {  	v3 =	vand.u32 $0x7, v3  }
0xba: {  	v3 =	vor.u32 v3, v4  }
0xbb: {  	v4 =	vperm.xlane v3, v0;
	_ =	sdelay $0x1  }
0xbc: {  	v4 =	vadd.s32 v1, v4;
	_ =	sdelay $0x3  }
0xbd: {  	v3 =	vperm.xlane v3, v2  }
0xbe: {  	[tilespmem:s24], [sflag:$0x1] =	stream.indirect_vreg.gather [hbm4b:s4+s2], $0x80, v4, vm0, $0xb8;
	[tilespmem:$0x18100] =	vst v63  }
0xbf: {  	v3 =	vadd.s32 v1, v3  }
0xc0: {  	[tilespmem:s25], [sflag:$0x1] =	stream.indirect_vreg.gather [hbm4b:s5+s2], $0x80, v4, vm0, $0xb8;
	[tilespmem:$0x18100] =	vst v63  }
0xc1: {  	_ = 	snop  }
0xc2: {  	[tilespmem:s26], [sflag:$0x1] =	stream.indirect_vreg.gather [hbm4b:s6+s2], $0x80, v4, vm0, $0xb8;
	[tilespmem:$0x18100] =	vst v63  }
0xc3: {  	_ = 	snop  }
0xc4: {  	[tilespmem:s28], [sflag:$0x1] =	stream.indirect_vreg.gather [hbm4b:s4+s2], $0x80, v3, vm0, $0xb8;
	[tilespmem:$0x18100] =	vst v63  }
0xc5: {  	_ = 	snop  }
0xc6: {  	[tilespmem:s29], [sflag:$0x1] =	stream.indirect_vreg.gather [hbm4b:s5+s2], $0x80, v3, vm0, $0xb8;
	[tilespmem:$0x18100] =	vst v63  }
0xc7: {  	_ = 	snop  }
0xc8: {  	[tilespmem:s30], [sflag:$0x1] =	stream.indirect_vreg.gather [hbm4b:s6+s2], $0x80, v3, vm0, $0xb8;
	[tilespmem:$0x18100] =	vst v63  }
0xc9: {  	_ =	swait.ge [sflag:s31], $0xC000  }
0xca: {  	[sflag:s31] =	ssyncset.done $0x0  }
0xcb: {  	s11 =	rddreg [dreg:$0x4];
	[sflag:s31] =	ssyncadd.s32 $0xFFFF4000  }
0xcc: {  	[hbm4b:s11+s2] =	stream.linear.scatter [tilespmem:s9], [sflag:$0x2], $0xC000, $0x38;
	[tilespmem:$0x18100] =	vst v63  }
0xcd: {  	_ =	swait.ge [sflag:s31], $0xC000  }
0xce: {  	[sflag:s31] =	ssyncset.done $0x0  }
0xcf: {  	s11 =	rddreg [dreg:$0x5];
	[sflag:s31] =	ssyncadd.s32 $0xFFFF4000  }
0xd0: {  	[hbm4b:s11+s2] =	stream.linear.scatter [tilespmem:s10], [sflag:$0x2], $0xC000, $0x38;
	[tilespmem:$0x18100] =	vst v63  }
0xd1: {  	p0 =	sne.s32 s7, $0x1;
	_ =	swait.ge [sflag:s1], $0xC000  }
.Ltmp0:
0xd2: {  	[sflag:s1] =	ssyncset.done $0x0;
	(pc) =	sbr.rel @p0 .LBB2_1-.Ltmp0, $4  }
0xd3: {  	[sflag:s1] =	ssyncadd.s32 $0xFFFF4000  }
0xd4: {  	_ =	swait.ge [sflag:s1], $0xC000  }
0xd5: {  	[sflag:s1] =	ssyncset.done $0x0  }
0xd6: {  	s7 =	sadd.s32 $0xFFFFFFFF, s7;
	[sflag:s1] =	ssyncadd.s32 $0xFFFF4000  }
0xd7: {  	_ =	sfence.sel $0x180000  }
0xd8: {  	[bflag:$0x0] =	sbarrier.arrive $0xFFFF  }
0xd9: {  	_ =	strace $0x9000004A  }
0xda: {  	s0 =	stileid.u32;
	[bflag:$0x2] =	sbarrier.arrive $0xFFFF  }
0xdb: {  	p0 =	sne.s32 s0, $0x0;
	s0 =	rddreg [dreg:$0x2]  }
0xdc: {  	s0 =	sadd.s32 @!p0 $0x100000, s0  }
0xdd: {  	[sflag:s0] =	ssyncadd.tile.s32 @!p0 $0x1;
	_ =	shalt  }
.Lfunc_end2:
_tile_overlayer_lowered:
.L_overlay_start_2:
0xde: {  	(tag) =	ssettag $0x2  }
0xdf: {  	s0 =	rddreg [dreg:$0x0];
	s2 =	stileid.u32  }
0xe0: {  	s1 =	rddreg [dreg:$0x1];
	p0 =	sne.s32 s2, $0x0  }
0xe1: {  	s3 =	rddreg [dreg:$0x2];
	[bflag:$0x3] =	sbarrier.arrive $0xFFFF;
	s2 =	simm.s32 @!p0 $0x1C03  }
0xe2: {  	[timem:s3], [sflag:s2] =	dma.local @!p0 [hbm:s0], s1  }
0xe3: {  	s0 =	simm.s32 @!p0 $0x3  }
0xe4: {  	_ =	swait.ge @!p0 [sflag:s0], s1  }
0xe5: {  	s1 =	ssub.s32 @!p0 $0x0, s1;
	[sflag:s0] =	ssyncset.done @!p0 $0x0  }
0xe6: {  	[sflag:s0] =	ssyncadd.s32 @!p0 s1  }
0xe7: {  	[bflag:$0x3] =	sbarrier.arrive $0xFFFF  }
0xe8: {  	_ =	shalt  }

// kernel: sc_scatter_rows.3.cloned.1.call-start
scs
__scs_entry_jumppad:
0x0: {  	(pc) =	sbr.rel $0x88, $3  }
0x1: {  	(tag) =	ssettag $0x0;
	lr =	simm.s32 $0x1  }
0x2: {  	[smem:$0x3F99] =	sst lr;
	_ =	strace $0xD0000000  }
0x3: {  	_ = 	snop  }
0x4: {  	_ = 	snop  }
0x5: {  	_ = 	snop  }
0x6: {  	_ = 	snop  }
0x7: {  	_ = 	snop  }
__scs_overlays_trampoline_lowered:
0x8: {  	[smem:$0x3FA8] =	sst s0  }
0x9: {  	[smem:$0x3FA9] =	sst s1  }
0xa: {  	[smem:$0x3FAA] =	sst s2  }
0xb: {  	[smem:$0x3FAB] =	sst s3  }
0xc: {  	[smem:$0x3FAC] =	sst s4  }
0xd: {  	[smem:$0x3FAD] =	sst s5  }
0xe: {  	[smem:$0x3FAE] =	sst s6  }
0xf: {  	[smem:$0x3FAF] =	sst s7  }
0x10: {  	[smem:$0x3FB0] =	sst s8  }
0x11: {  	[smem:$0x3FB1] =	sst s9;
	s0 =	simm.s32 @!p0 $0x0  }
0x12: {  	s1 =	sld [smem:$0x3F97];
	s0 =	simm.s32 @p0 $0x1  }
0x13: {  	[smem:$0x3FB2] =	sst s0;
	s0 =	simm.s32 @!p1 $0x0  }
0x14: {  	s2 =	sld [smem:$0x3F96];
	s0 =	simm.s32 @p1 $0x1  }
0x15: {  	[smem:$0x3FB3] =	sst s0;
	s0 =	simm.s32 @!p2 $0x0  }
0x16: {  	s3 =	sld [smem:$0x3FDB];
	s0 =	simm.s32 @p2 $0x1  }
0x17: {  	s4 =	simm.s32 $0x1BF5;
	[smem:$0x3FB5] =	sst s0  }
0x18: {  	s0 =	sld [smem:$0x3F98];
	_ =	swait.ge [sflag:s4], $0x0  }
0x19: {  	s7 =	sld [smem:$0x3F99]  }
0x1a: {  	s8 =	sadd.s32 $0xFFFFE003, lr  }
0x1b: {  	s9 =	sadd.s32 $0xFFFFFEF7, lr;
	s5 =	simm.s32 $0xFFFFFFFF;
	p2 =	slt.u32 s8, $0xFFFFF086  }
0x1c: {  	p1 =	slt.u32 s9, $0xF7A;
	s5 =	simm.s32 @!p2 $0x0  }
0x1d: {  	s5 =	simm.s32 @p1 $0x1;
	p0 =	seq.s32 s7, s2  }
0x1e: {  	s7 =	smul.u32 @!p0 $0xF7A, s2;
	p2 =	seq.s32 @!p0 s5, $0x0  }
0x1f: {  	s9 =	smul.u32 $0xF7A, s1;
	s8 =	simm.s32 @!p0 $0x1BF5;
	p2 =	por !p2, p0  }
0x20: {  	[sflag:s8] =	ssyncset.s32 @!p0 $0xFFFFF086;
	s6 =	sadd.s32 @!p0 s3, s7;
	s7 =	simm.s32 @!p0 $0x108  }
0x21: {  	s3 =	sadd.s32 s3, s9;
	s6 =	sadd.s32 @!p0 $0x88, s6;
	s7 =	simm.s32 @p2 $0x1082  }
0x22: {  	[simem:s7], [sflag:s8] =	dma.local @!p0 [hbm:s6], $0xF7A  }
0x23: {  	s9 =	sor.u32 $0xD0000000, s2;
	s6 =	simm.s32 $0x108;
	_ =	swait.ge @!p0 [sflag:s8], $0x0  }
0x24: {  	s3 =	sadd.s32 $0x88, s3;
	s6 =	simm.s32 @!p1 $0x1082;
	[sflag:s4] =	ssyncset.s32 $0xFFFFF086  }
0x25: {  	[simem:s6], [sflag:s4] =	dma.local [hbm:s3], $0xF7A  }
0x26: {  	[smem:$0x3F99] =	sst s1;
	(tag) =	ssettag s2;
	_ =	strace s9  }
0x27: {  	s1 =	sld [smem:$0x3FA9]  }
0x28: {  	s2 =	sld [smem:$0x3FAA]  }
0x29: {  	s4 =	sld [smem:$0x3FAC]  }
0x2a: {  	p0 =	seq.s32 s5, $0x0;
	s5 =	sld [smem:$0x3FAD]  }
0x2b: {  	s6 =	sld [smem:$0x3FAE]  }
0x2c: {  	s7 =	sld [smem:$0x3FAF]  }
0x2d: {  	s3 =	simm.s32 $0x108;
	s8 =	sld [smem:$0x3FB0]  }
0x2e: {  	s3 =	simm.s32 @!p0 $0x1082;
	s9 =	sld [smem:$0x3FB1]  }
0x2f: {  	lr =	sadd.s32 s0, s3;
	s0 =	sld [smem:$0x3FA8]  }
0x30: {  	s3 =	sld [smem:$0x3FAB]  }
0x31: {  	[smem:$0x3FB4] =	sst s10  }
0x32: {  	s10 =	sld [smem:$0x3FB2];
	_ =	sdelay $0x3  }
0x33: {  	p0 =	seq.s32 s10, $0x1;
	s10 =	sld [smem:$0x3FB4];
	_ =	sdelay $0x3  }
0x34: {  	[smem:$0x3FB4] =	sst s10  }
0x35: {  	s10 =	sld [smem:$0x3FB3];
	_ =	sdelay $0x3  }
0x36: {  	p1 =	seq.s32 s10, $0x1;
	s10 =	sld [smem:$0x3FB4];
	_ =	sdelay $0x3  }
0x37: {  	[smem:$0x3FB4] =	sst s10  }
0x38: {  	s10 =	sld [smem:$0x3FB5]  }
0x39: {  	_ = 	snop;
	(pc) =	sbr.ind lr, $3  }
0x3a: {  	_ = 	snop  }
0x3b: {  	_ = 	snop  }
0x3c: {  	p2 =	seq.s32 s10, $0x1;
	s10 =	sld [smem:$0x3FB4]  }
0x3d: {  	_ =	shalt  }
0x3e: {  	_ =	shalt  }
0x3f: {  	_ =	shalt  }
0x40: {  	_ =	shalt  }
0x41: {  	_ =	shalt  }
0x42: {  	_ =	shalt  }
0x43: {  	_ =	shalt  }
0x44: {  	_ =	shalt  }
0x45: {  	_ =	shalt  }
0x46: {  	_ =	shalt  }
0x47: {  	_ =	shalt  }
0x48: {  	_ =	shalt  }
0x49: {  	_ =	shalt  }
0x4a: {  	_ =	shalt  }
0x4b: {  	_ =	shalt  }
0x4c: {  	_ =	shalt  }
0x4d: {  	_ =	shalt  }
0x4e: {  	_ =	shalt  }
0x4f: {  	_ =	shalt  }
0x50: {  	_ =	shalt  }
0x51: {  	_ =	shalt  }
0x52: {  	_ =	shalt  }
0x53: {  	_ =	shalt  }
0x54: {  	_ =	shalt  }
0x55: {  	_ =	shalt  }
0x56: {  	_ =	shalt  }
0x57: {  	_ =	shalt  }
0x58: {  	_ =	shalt  }
0x59: {  	_ =	shalt  }
0x5a: {  	_ =	shalt  }
0x5b: {  	_ =	shalt  }
0x5c: {  	_ =	shalt  }
0x5d: {  	_ =	shalt  }
0x5e: {  	_ =	shalt  }
0x5f: {  	_ =	shalt  }
0x60: {  	_ =	shalt  }
0x61: {  	_ =	shalt  }
0x62: {  	_ =	shalt  }
0x63: {  	_ =	shalt  }
0x64: {  	_ =	shalt  }
0x65: {  	_ =	shalt  }
0x66: {  	_ =	shalt  }
0x67: {  	_ =	shalt  }
0x68: {  	_ =	shalt  }
0x69: {  	_ =	shalt  }
0x6a: {  	_ =	shalt  }
0x6b: {  	_ =	shalt  }
0x6c: {  	_ =	shalt  }
0x6d: {  	_ =	shalt  }
0x6e: {  	_ =	shalt  }
0x6f: {  	_ =	shalt  }
0x70: {  	_ =	shalt  }
0x71: {  	_ =	shalt  }
0x72: {  	_ =	shalt  }
0x73: {  	_ =	shalt  }
0x74: {  	_ =	shalt  }
0x75: {  	_ =	shalt  }
0x76: {  	_ =	shalt  }
0x77: {  	_ =	shalt  }
0x78: {  	_ =	shalt  }
0x79: {  	_ =	shalt  }
0x7a: {  	_ =	shalt  }
0x7b: {  	_ =	shalt  }
0x7c: {  	_ =	shalt  }
0x7d: {  	_ =	shalt  }
0x7e: {  	_ =	shalt  }
0x7f: {  	_ =	shalt  }
0x80: {  	_ =	shalt  }
0x81: {  	_ =	shalt  }
0x82: {  	_ =	shalt  }
0x83: {  	_ =	shalt  }
0x84: {  	_ =	shalt  }
0x85: {  	_ =	shalt  }
0x86: {  	_ =	shalt  }
0x87: {  	_ =	shalt  }
.Lfunc_end0:
.L_simem_size_0:
called_computation_lowered:
.L_overlay_start_0:
0x88: {  	s2 =	sld [smem:$0x3FD9]  }
0x89: {  	s3 =	sld [smem:$0x3FFE];
	_ =	sdelay $0x1  }
0x8a: {  	s1 =	srdreg.scid  }
0x8b: {  	s0 =	sand.u32 $0x1, s1  }
0x8c: {  	s17 =	sshll.u32 s0, $0xA;
	s2 =	sadd.s32 s3, s2  }
0x8d: {  	s2 =	sadd.s32 s2, s17  }
0x8e: {  	[smem:$0x3FC0] =	sst s2  }
0x8f: {  	_ = 	snop  }
0x90: {  	s2 =	sld [smem:$0x3FC9];
	(tm) =	ssettm $0x1  }
0x91: {  	s18 =	sld [smem:$0x3FFB];
	_ =	sdelay $0x3  }
0x92: {  	_ =	strace s18  }
0x93: {  	s3 =	sld [smem:$0x3FFC];
	_ =	sdelay $0x3  }
0x94: {  	_ =	strace s3  }
0x95: {  	s3 =	sld [smem:$0x3FFD];
	_ =	sdelay $0x3  }
0x96: {  	_ =	strace s3  }
0x97: {  	_ =	strace $0x8FFFFFFF  }
0x98: {  	s19 =	sld [smem:$0x3FDB];
	_ =	sdelay $0x1  }
0x99: {  	s4 =	simm.s32 $_scs_section_size  }
0x9a: {  	s5 =	simm.s32 $_size__tile_overlayer_lowered;
	s6 =	simm.s32 $_tile_overlayer_lowered  }
0x9b: {  	s22 =	simm.s32 $0x1BFF;
	s21 =	sshll.u32 s6, $0x1;
	s3 =	sadd.s32 s4, s19  }
0x9c: {  	s7 =	simm.s32 $0x0;
	s20 =	sshll.u32 s5, $0x1;
	s5 =	sadd.s32 s21, s3  }
0x9d: {  	[timem:s7], [sflag:s22] =	dma.local [hbm:s5], s20  }
0x9e: {  	_ =	swait.ge [sflag:s22], s20  }
0x9f: {  	s4 =	ssub.s32 $0x0, s20;
	[sflag:s22] =	ssyncset.done $0x0  }
0xa0: {  	[sflag:s22] =	ssyncadd.s32 s4;
	_ =	sdelay $0x1  }
0xa1: {  	s23 =	simm.s32 $0x1B8B  }
0xa2: {  	_ =	swait.ge [sflag:s23], $0x1  }
0xa3: {  	[sflag:s23] =	ssyncset.done $0x0  }
0xa4: {  	s25 =	simm.s32 $0x1B8E;
	s24 =	sld [smem:$0x3FFE];
	[sflag:s23] =	ssyncadd.s32 $0xFFFFFFFF  }
0xa5: {  	s26 =	simm.s32 $execute0_lowered;
	[smem:$0x3FD2] =	sst s25  }
0xa6: {  	s5 =	sshll.u32 s26, $0x1;
	_ =	strace $0x80000046;
	[dreg:$0x1] =	wrdreg $0xFFFFFFFF  }
0xa7: {  	s28 =	simm.s32 $_size_execute0_lowered;
	s3 =	sadd.s32 s3, s5;
	[dreg:$0x0] =	wrdreg $0x0  }
0xa8: {  	s5 =	sshll.u32 s28, $0x1;
	[dreg:$0x2] =	wrdreg s3  }
0xa9: {  	[dreg:$0x3] =	wrdreg s5  }
0xaa: {  	[dreg:$0x4] =	wrdreg $0xC0  }
0xab: {  	_ =	task [dreg:s7], $0x5FFFF  }
0xac: {  	[dreg:$0x1] =	wrdreg $0xFFFFFFFF  }
0xad: {  	[dreg:$0x0] =	wrdreg $0x60  }
0xae: {  	[dreg:$0x2] =	wrdreg s2  }
0xaf: {  	[dreg:$0x3] =	wrdreg s24  }
0xb0: {  	[dreg:$0x4] =	wrdreg $0x9  }
0xb1: {  	_ =	task.clear_ibuf [dreg:s7], $0x5FFFF;
	_ =	strace $0x90000046  }
0xb2: {  	s29 =	simm.s32 $0x9;
	_ =	strace $0x80000048  }
0xb3: {  	_ =	swait.ge [sflag:s29], $0x1  }
0xb4: {  	[sflag:s29] =	ssyncadd.s32 $0xFFFFFFFF  }
0xb5: {  	_ =	strace $0x90000048  }
0xb6: {  	_ =	sfence  }
0xb7: {  	s30 =	sld [smem:$0x0];
	_ =	sdelay $0x2  }
0xb8: {  	s31 =	sshll.u32 s1, $0xD;
	s1 =	sshrl.u32 s1, $0x2  }
0xb9: {  	s3 =	sand.u32 $0x4000, s31;
	s1 =	sadd.s32 s1, s30  }
0xba: {  	s0 =	sor.u32 s3, s0;
	s1 =	sshll.u32 s1, $0x11  }
0xbb: {  	s0 =	sor.u32 s1, s0  }
0xbc: {  	s0 =	sadd.s32 $0x8F2B, s0  }
0xbd: {  	[sflag:s0] =	ssyncadd.remote.s32 $0x1  }
0xbe: {  	_ =	sfence.sel $0xFFFF  }
0xbf: {  	[dreg:$0x0] =	wrdreg $0xFFFFFFFF;
	(pc) =	sbr.abs _section_cstart, $3  }
0xc0: {  	[dreg:$0x1] =	wrdreg $0xFFFFFFFF  }
0xc1: {  	_ =	task.clear_ibuf [dreg:s7], $0x2FFFF;
	_ =	strace $0x9FFFFFFF  }
0xc2: {  	(tm) =	ssettm $0x7FFFFFFF  }
0xc3: {  	_ =	shalt  }
tec
execute0_lowered:
.L_overlay_start_1:
0x0: {  	(tag) =	ssettag $0x1  }
0x1: {  	s0 =	rddreg [dreg:$0x0]  }
0x2: {  	s1 =	rddreg [dreg:$0x1];
	s2 =	srdreg.scid  }
0x3: {  	s4 =	stileid.u32;
	s26 =	simm.s32 $0x80;
	s8 =	simm.s32 $0x2  }
0x4: {  	s9 =	simm.s32 $0x100;
	s12 =	simm.s32 $0x1900;
	s13 =	simm.s32 $0x2100  }
0x5: {  	s14 =	simm.s32 $0x2900;
	s15 =	simm.s32 $0x3100;
	s16 =	simm.s32 $0x3900  }
0x6: {  	s17 =	simm.s32 $0x4100;
	s18 =	simm.s32 $0x4900;
	s19 =	simm.s32 $0x5100  }
0x7: {  	s20 =	simm.s32 $0x5900;
	s21 =	simm.s32 $0x6100;
	s22 =	simm.s32 $0x6900  }
0x8: {  	s23 =	simm.s32 $0x7100;
	s24 =	simm.s32 $0x7900;
	s25 =	simm.s32 $0x8100  }
0x9: {  	s28 =	simm.s32 $0x9100;
	s29 =	simm.s32 $0x9900;
	s30 =	simm.s32 $0xA100  }
0xa: {  	s31 =	simm.s32 $0xA900;
	s3 =	sand.u32 $0x1, s2;
	s2 =	simm.s32 $0x0  }
0xb: {  	s4 =	sshll.u32 s4, $0x4;
	s5 =	sshll.u32 s3, $0x3;
	[smem:$0x7FF] =	sst s2  }
0xc: {  	s3 =	ssub.s32 $0x2, s3;
	s4 =	sor.u32 s5, s4;
	_ =	strace $0x80000047  }
0xd: {  	s7 =	sshrl.u32 s3, $0x1;
	[dreg:$0x5] =	wrdreg s26;
	s26 =	simm.s32 $0x8900  }
0xe: {  	s6 =	sadd.s32 s1, s4;
	s5 =	smul.u32 $0x300, s4;
	s4 =	sadd.s32 $0x400, s1  }
0xf: {  	s3 =	ssub.s32 s3, s7;
	[dreg:$0x6] =	wrdreg s6;
	s6 =	sadd.s32 $0x200, s6  }
0x10: {  	v2 =	vlaneseq.u32;
	s7 =	smax.u32 s3, $0x1;
	s3 =	simm.s32 $0x1;
	[dreg:$0x3] =	wrdreg s6  }
0x11: {  	vm0 =	vmmov $0xffff;
	v1 =	vshrl.u32 v2, $0x3;
	s0 =	sadd.s32 s0, s5;
	s5 =	sadd.s32 $0x500, s1;
	s6 =	sadd.s32 $0x600, s1  }
0x12: {  	v0 =	vand.u32 $0x7, v2;
	v2 =	vor.u32 $0x8, v2;
	v1 =	vmul.u32 $0x8, v1;
	s1 =	simm.s32 $0xB900;
	[dreg:$0x4] =	wrdreg s0;
	s0 =	simm.s32 $0xB100  }
.LBB2_1:
0x13: {  	s10 =	rddreg [dreg:$0x3]  }
0x14: {  	[tilespmem:s2], [sflag:$0x2] =	stream.linear.gather [hbm4b:s10+s2], $0x40, $0x38;
	[tilespmem:$0xC100] =	vst v63  }
0x15: {  	_ =	swait.ge [sflag:s8], $0x40  }
0x16: {  	s10 =	rddreg [dreg:$0x5];
	[sflag:s8] =	ssyncset.done $0x0  }
0x17: {  	s11 =	rddreg [dreg:$0x6];
	[sflag:s8] =	ssyncadd.s32 $0xFFFFFFC0  }
0x18: {  	[tilespmem:s10], [sflag:$0x2] =	stream.linear.gather [hbm4b:s11+s2], $0x40, $0x38;
	[tilespmem:$0xC100] =	vst v63  }
0x19: {  	_ =	swait.ge [sflag:s8], $0x40  }
0x1a: {  	[sflag:s8] =	ssyncset.done $0x0  }
0x1b: {  	s11 =	rddreg [dreg:$0x4];
	[sflag:s8] =	ssyncadd.s32 $0xFFFFFFC0  }
0x1c: {  	[tilespmem:s9], [sflag:$0x2] =	stream.linear.gather [hbm4b:s11+s2], $0xC000, $0x38;
	[tilespmem:$0xC100] =	vst v63  }
0x1d: {  	_ =	swait.ge [sflag:s8], $0xC000  }
0x1e: {  	[sflag:s8] =	ssyncset.done $0x0  }
0x1f: {  	[sflag:s8] =	ssyncadd.s32 $0xFFFF4000  }
0x20: {  	v3 =	vld [tilespmem:$0x0];
	_ =	sdelay $0x4  }
0x21: {  	v4 =	vshrl.u32 v3, $0x3  }
0x22: {  	v4 =	vmul.u32 $0x30, v4  }
0x23: {  	v3 =	vand.u32 $0x7, v3  }
0x24: {  	v3 =	vor.u32 v3, v4  }
0x25: {  	v4 =	vperm.xlane v3, v0;
	_ =	sdelay $0x1  }
0x26: {  	v4 =	vadd.s32 v1, v4;
	_ =	sdelay $0x3  }
0x27: {  	v3 =	vperm.xlane v3, v2  }
0x28: {  	[hbm4b:s4+s2] =	stream.indirect_vreg.scatter [tilespmem:s9], [sflag:$0x1], $0x80, v4, vm0, $0xb8;
	[tilespmem:$0xC100] =	vst v63  }
0x29: {  	s10 =	simm.s32 $0x900;
	v3 =	vadd.s32 v1, v3  }
0x2a: {  	[hbm4b:s5+s2] =	stream.indirect_vreg.scatter [tilespmem:s10], [sflag:$0x1], $0x80, v4, vm0, $0xb8;
	[tilespmem:$0xC100] =	vst v63  }
0x2b: {  	s11 =	simm.s32 $0x1100  }
0x2c: {  	[hbm4b:s6+s2] =	stream.indirect_vreg.scatter [tilespmem:s11], [sflag:$0x1], $0x80, v4, vm0, $0xb8;
	[tilespmem:$0xC100] =	vst v63  }
0x2d: {  	_ = 	snop  }
0x2e: {  	[hbm4b:s4+s2] =	stream.indirect_vreg.scatter [tilespmem:s12], [sflag:$0x1], $0x80, v3, vm0, $0xb8;
	[tilespmem:$0xC100] =	vst v63  }
0x2f: {  	_ = 	snop  }
0x30: {  	[hbm4b:s5+s2] =	stream.indirect_vreg.scatter [tilespmem:s13], [sflag:$0x1], $0x80, v3, vm0, $0xb8;
	[tilespmem:$0xC100] =	vst v63  }
0x31: {  	_ = 	snop  }
0x32: {  	[hbm4b:s6+s2] =	stream.indirect_vreg.scatter [tilespmem:s14], [sflag:$0x1], $0x80, v3, vm0, $0xb8;
	[tilespmem:$0xC100] =	vst v63  }
0x33: {  	v3 =	vld [tilespmem:$0x10];
	_ =	sdelay $0x4  }
0x34: {  	v57 =	vshrl.u32 v3, $0x3  }
0x35: {  	v4 =	vmul.u32 $0x30, v57  }
0x36: {  	v3 =	vand.u32 $0x7, v3  }
0x37: {  	v3 =	vor.u32 v3, v4  }
0x38: {  	v4 =	vperm.xlane v3, v0;
	_ =	sdelay $0x1  }
0x39: {  	v4 =	vadd.s32 v1, v4;
	_ =	sdelay $0x3  }
0x3a: {  	v3 =	vperm.xlane v3, v2  }
0x3b: {  	[hbm4b:s4+s2] =	stream.indirect_vreg.scatter [tilespmem:s15], [sflag:$0x1], $0x80, v4, vm0, $0xb8;
	[tilespmem:$0xC100] =	vst v63  }
0x3c: {  	v3 =	vadd.s32 v1, v3  }
0x3d: {  	[hbm4b:s5+s2] =	stream.indirect_vreg.scatter [tilespmem:s16], [sflag:$0x1], $0x80, v4, vm0, $0xb8;
	[tilespmem:$0xC100] =	vst v63  }
0x3e: {  	_ = 	snop  }
0x3f: {  	[hbm4b:s6+s2] =	stream.indirect_vreg.scatter [tilespmem:s17], [sflag:$0x1], $0x80, v4, vm0, $0xb8;
	[tilespmem:$0xC100] =	vst v63  }
0x40: {  	_ = 	snop  }
0x41: {  	[hbm4b:s4+s2] =	stream.indirect_vreg.scatter [tilespmem:s18], [sflag:$0x1], $0x80, v3, vm0, $0xb8;
	[tilespmem:$0xC100] =	vst v63  }
0x42: {  	_ = 	snop  }
0x43: {  	[hbm4b:s5+s2] =	stream.indirect_vreg.scatter [tilespmem:s19], [sflag:$0x1], $0x80, v3, vm0, $0xb8;
	[tilespmem:$0xC100] =	vst v63  }
0x44: {  	_ = 	snop  }
0x45: {  	[hbm4b:s6+s2] =	stream.indirect_vreg.scatter [tilespmem:s20], [sflag:$0x1], $0x80, v3, vm0, $0xb8;
	[tilespmem:$0xC100] =	vst v63  }
0x46: {  	v3 =	vld [tilespmem:$0x20];
	_ =	sdelay $0x4  }
0x47: {  	v58 =	vshrl.u32 v3, $0x3  }
0x48: {  	v4 =	vmul.u32 $0x30, v58  }
0x49: {  	v3 =	vand.u32 $0x7, v3  }
0x4a: {  	v3 =	vor.u32 v3, v4  }
0x4b: {  	v4 =	vperm.xlane v3, v0;
	_ =	sdelay $0x1  }
0x4c: {  	v4 =	vadd.s32 v1, v4;
	_ =	sdelay $0x3  }
0x4d: {  	v3 =	vperm.xlane v3, v2  }
0x4e: {  	[hbm4b:s4+s2] =	stream.indirect_vreg.scatter [tilespmem:s21], [sflag:$0x1], $0x80, v4, vm0, $0xb8;
	[tilespmem:$0xC100] =	vst v63  }
0x4f: {  	v3 =	vadd.s32 v1, v3  }
0x50: {  	[hbm4b:s5+s2] =	stream.indirect_vreg.scatter [tilespmem:s22], [sflag:$0x1], $0x80, v4, vm0, $0xb8;
	[tilespmem:$0xC100] =	vst v63  }
0x51: {  	_ = 	snop  }
0x52: {  	[hbm4b:s6+s2] =	stream.indirect_vreg.scatter [tilespmem:s23], [sflag:$0x1], $0x80, v4, vm0, $0xb8;
	[tilespmem:$0xC100] =	vst v63  }
0x53: {  	_ = 	snop  }
0x54: {  	[hbm4b:s4+s2] =	stream.indirect_vreg.scatter [tilespmem:s24], [sflag:$0x1], $0x80, v3, vm0, $0xb8;
	[tilespmem:$0xC100] =	vst v63  }
0x55: {  	_ = 	snop  }
0x56: {  	[hbm4b:s5+s2] =	stream.indirect_vreg.scatter [tilespmem:s25], [sflag:$0x1], $0x80, v3, vm0, $0xb8;
	[tilespmem:$0xC100] =	vst v63  }
0x57: {  	_ = 	snop  }
0x58: {  	[hbm4b:s6+s2] =	stream.indirect_vreg.scatter [tilespmem:s26], [sflag:$0x1], $0x80, v3, vm0, $0xb8;
	[tilespmem:$0xC100] =	vst v63  }
0x59: {  	v3 =	vld [tilespmem:$0x30];
	_ =	sdelay $0x4  }
0x5a: {  	v59 =	vshrl.u32 v3, $0x3  }
0x5b: {  	v4 =	vmul.u32 $0x30, v59  }
0x5c: {  	v3 =	vand.u32 $0x7, v3  }
0x5d: {  	v3 =	vor.u32 v3, v4  }
0x5e: {  	v4 =	vperm.xlane v3, v0;
	_ =	sdelay $0x1  }
0x5f: {  	v4 =	vadd.s32 v1, v4;
	_ =	sdelay $0x3  }
0x60: {  	v3 =	vperm.xlane v3, v2  }
0x61: {  	[hbm4b:s4+s2] =	stream.indirect_vreg.scatter [tilespmem:s28], [sflag:$0x1], $0x80, v4, vm0, $0xb8;
	[tilespmem:$0xC100] =	vst v63  }
0x62: {  	v3 =	vadd.s32 v1, v3  }
0x63: {  	[hbm4b:s5+s2] =	stream.indirect_vreg.scatter [tilespmem:s29], [sflag:$0x1], $0x80, v4, vm0, $0xb8;
	[tilespmem:$0xC100] =	vst v63  }
0x64: {  	_ = 	snop  }
0x65: {  	[hbm4b:s6+s2] =	stream.indirect_vreg.scatter [tilespmem:s30], [sflag:$0x1], $0x80, v4, vm0, $0xb8;
	[tilespmem:$0xC100] =	vst v63  }
0x66: {  	_ = 	snop  }
0x67: {  	[hbm4b:s4+s2] =	stream.indirect_vreg.scatter [tilespmem:s31], [sflag:$0x1], $0x80, v3, vm0, $0xb8;
	[tilespmem:$0xC100] =	vst v63  }
0x68: {  	_ = 	snop  }
0x69: {  	[hbm4b:s5+s2] =	stream.indirect_vreg.scatter [tilespmem:s0], [sflag:$0x1], $0x80, v3, vm0, $0xb8;
	[tilespmem:$0xC100] =	vst v63  }
0x6a: {  	_ = 	snop  }
0x6b: {  	[hbm4b:s6+s2] =	stream.indirect_vreg.scatter [tilespmem:s1], [sflag:$0x1], $0x80, v3, vm0, $0xb8;
	[tilespmem:$0xC100] =	vst v63  }
0x6c: {  	v3 =	vld [tilespmem:$0x80];
	_ =	sdelay $0x4  }
0x6d: {  	v60 =	vshrl.u32 v3, $0x3  }
0x6e: {  	v4 =	vmul.u32 $0x30, v60  }
0x6f: {  	v3 =	vand.u32 $0x7, v3  }
0x70: {  	v3 =	vor.u32 v3, v4  }
0x71: {  	v4 =	vperm.xlane v3, v0;
	_ =	sdelay $0x1  }
0x72: {  	v4 =	vadd.s32 v1, v4;
	_ =	sdelay $0x3  }
0x73: {  	v3 =	vperm.xlane v3, v2  }
0x74: {  	[hbm4b:s4+s2] =	stream.indirect_vreg.scatter [tilespmem:s9], [sflag:$0x1], $0x80, v4, vm0, $0xb8;
	[tilespmem:$0xC100] =	vst v63  }
0x75: {  	v3 =	vadd.s32 v1, v3  }
0x76: {  	[hbm4b:s5+s2] =	stream.indirect_vreg.scatter [tilespmem:s10], [sflag:$0x1], $0x80, v4, vm0, $0xb8;
	[tilespmem:$0xC100] =	vst v63  }
0x77: {  	_ = 	snop  }
0x78: {  	[hbm4b:s6+s2] =	stream.indirect_vreg.scatter [tilespmem:s11], [sflag:$0x1], $0x80, v4, vm0, $0xb8;
	[tilespmem:$0xC100] =	vst v63  }
0x79: {  	_ = 	snop  }
0x7a: {  	[hbm4b:s4+s2] =	stream.indirect_vreg.scatter [tilespmem:s12], [sflag:$0x1], $0x80, v3, vm0, $0xb8;
	[tilespmem:$0xC100] =	vst v63  }
0x7b: {  	_ = 	snop  }
0x7c: {  	[hbm4b:s5+s2] =	stream.indirect_vreg.scatter [tilespmem:s13], [sflag:$0x1], $0x80, v3, vm0, $0xb8;
	[tilespmem:$0xC100] =	vst v63  }
0x7d: {  	_ = 	snop  }
0x7e: {  	[hbm4b:s6+s2] =	stream.indirect_vreg.scatter [tilespmem:s14], [sflag:$0x1], $0x80, v3, vm0, $0xb8;
	[tilespmem:$0xC100] =	vst v63  }
0x7f: {  	v3 =	vld [tilespmem:$0x90];
	_ =	sdelay $0x4  }
0x80: {  	v61 =	vshrl.u32 v3, $0x3  }
0x81: {  	v4 =	vmul.u32 $0x30, v61  }
0x82: {  	v3 =	vand.u32 $0x7, v3  }
0x83: {  	v3 =	vor.u32 v3, v4  }
0x84: {  	v4 =	vperm.xlane v3, v0;
	_ =	sdelay $0x1  }
0x85: {  	v4 =	vadd.s32 v1, v4;
	_ =	sdelay $0x3  }
0x86: {  	v3 =	vperm.xlane v3, v2  }
0x87: {  	[hbm4b:s4+s2] =	stream.indirect_vreg.scatter [tilespmem:s15], [sflag:$0x1], $0x80, v4, vm0, $0xb8;
	[tilespmem:$0xC100] =	vst v63  }
0x88: {  	v3 =	vadd.s32 v1, v3  }
0x89: {  	[hbm4b:s5+s2] =	stream.indirect_vreg.scatter [tilespmem:s16], [sflag:$0x1], $0x80, v4, vm0, $0xb8;
	[tilespmem:$0xC100] =	vst v63  }
0x8a: {  	_ = 	snop  }
0x8b: {  	[hbm4b:s6+s2] =	stream.indirect_vreg.scatter [tilespmem:s17], [sflag:$0x1], $0x80, v4, vm0, $0xb8;
	[tilespmem:$0xC100] =	vst v63  }
0x8c: {  	_ = 	snop  }
0x8d: {  	[hbm4b:s4+s2] =	stream.indirect_vreg.scatter [tilespmem:s18], [sflag:$0x1], $0x80, v3, vm0, $0xb8;
	[tilespmem:$0xC100] =	vst v63  }
0x8e: {  	_ = 	snop  }
0x8f: {  	[hbm4b:s5+s2] =	stream.indirect_vreg.scatter [tilespmem:s19], [sflag:$0x1], $0x80, v3, vm0, $0xb8;
	[tilespmem:$0xC100] =	vst v63  }
0x90: {  	_ = 	snop  }
0x91: {  	[hbm4b:s6+s2] =	stream.indirect_vreg.scatter [tilespmem:s20], [sflag:$0x1], $0x80, v3, vm0, $0xb8;
	[tilespmem:$0xC100] =	vst v63  }
0x92: {  	v3 =	vld [tilespmem:$0xA0];
	_ =	sdelay $0x4  }
0x93: {  	v62 =	vshrl.u32 v3, $0x3  }
0x94: {  	v4 =	vmul.u32 $0x30, v62  }
0x95: {  	v3 =	vand.u32 $0x7, v3  }
0x96: {  	v3 =	vor.u32 v3, v4  }
0x97: {  	v4 =	vperm.xlane v3, v0;
	_ =	sdelay $0x1  }
0x98: {  	v4 =	vadd.s32 v1, v4;
	_ =	sdelay $0x3  }
0x99: {  	v3 =	vperm.xlane v3, v2  }
0x9a: {  	[hbm4b:s4+s2] =	stream.indirect_vreg.scatter [tilespmem:s21], [sflag:$0x1], $0x80, v4, vm0, $0xb8;
	[tilespmem:$0xC100] =	vst v63  }
0x9b: {  	v3 =	vadd.s32 v1, v3  }
0x9c: {  	[hbm4b:s5+s2] =	stream.indirect_vreg.scatter [tilespmem:s22], [sflag:$0x1], $0x80, v4, vm0, $0xb8;
	[tilespmem:$0xC100] =	vst v63  }
0x9d: {  	_ = 	snop  }
0x9e: {  	[hbm4b:s6+s2] =	stream.indirect_vreg.scatter [tilespmem:s23], [sflag:$0x1], $0x80, v4, vm0, $0xb8;
	[tilespmem:$0xC100] =	vst v63  }
0x9f: {  	_ = 	snop  }
0xa0: {  	[hbm4b:s4+s2] =	stream.indirect_vreg.scatter [tilespmem:s24], [sflag:$0x1], $0x80, v3, vm0, $0xb8;
	[tilespmem:$0xC100] =	vst v63  }
0xa1: {  	_ = 	snop  }
0xa2: {  	[hbm4b:s5+s2] =	stream.indirect_vreg.scatter [tilespmem:s25], [sflag:$0x1], $0x80, v3, vm0, $0xb8;
	[tilespmem:$0xC100] =	vst v63  }
0xa3: {  	_ = 	snop  }
0xa4: {  	[hbm4b:s6+s2] =	stream.indirect_vreg.scatter [tilespmem:s26], [sflag:$0x1], $0x80, v3, vm0, $0xb8;
	[tilespmem:$0xC100] =	vst v63  }
0xa5: {  	v3 =	vld [tilespmem:$0xB0];
	_ =	sdelay $0x4  }
0xa6: {  	v63 =	vshrl.u32 v3, $0x3  }
0xa7: {  	v4 =	vmul.u32 $0x30, v63  }
0xa8: {  	v3 =	vand.u32 $0x7, v3  }
0xa9: {  	v3 =	vor.u32 v3, v4  }
0xaa: {  	v4 =	vperm.xlane v3, v0;
	_ =	sdelay $0x1  }
0xab: {  	v4 =	vadd.s32 v1, v4;
	_ =	sdelay $0x3  }
0xac: {  	v3 =	vperm.xlane v3, v2  }
0xad: {  	[hbm4b:s4+s2] =	stream.indirect_vreg.scatter [tilespmem:s28], [sflag:$0x1], $0x80, v4, vm0, $0xb8;
	[tilespmem:$0xC100] =	vst v63  }
0xae: {  	v3 =	vadd.s32 v1, v3  }
0xaf: {  	[hbm4b:s5+s2] =	stream.indirect_vreg.scatter [tilespmem:s29], [sflag:$0x1], $0x80, v4, vm0, $0xb8;
	[tilespmem:$0xC100] =	vst v63  }
0xb0: {  	_ = 	snop  }
0xb1: {  	[hbm4b:s6+s2] =	stream.indirect_vreg.scatter [tilespmem:s30], [sflag:$0x1], $0x80, v4, vm0, $0xb8;
	[tilespmem:$0xC100] =	vst v63  }
0xb2: {  	_ = 	snop  }
0xb3: {  	[hbm4b:s4+s2] =	stream.indirect_vreg.scatter [tilespmem:s31], [sflag:$0x1], $0x80, v3, vm0, $0xb8;
	[tilespmem:$0xC100] =	vst v63  }
0xb4: {  	_ = 	snop  }
0xb5: {  	[hbm4b:s5+s2] =	stream.indirect_vreg.scatter [tilespmem:s0], [sflag:$0x1], $0x80, v3, vm0, $0xb8;
	[tilespmem:$0xC100] =	vst v63  }
0xb6: {  	_ = 	snop  }
0xb7: {  	[hbm4b:s6+s2] =	stream.indirect_vreg.scatter [tilespmem:s1], [sflag:$0x1], $0x80, v3, vm0, $0xb8;
	[tilespmem:$0xC100] =	vst v63  }
0xb8: {  	p0 =	sne.s32 s7, $0x1;
	_ =	swait.ge [sflag:s3], $0xC000  }
.Ltmp0:
0xb9: {  	[sflag:s3] =	ssyncset.done $0x0;
	(pc) =	sbr.rel @p0 .LBB2_1-.Ltmp0, $4  }
0xba: {  	[sflag:s3] =	ssyncadd.s32 $0xFFFF4000  }
0xbb: {  	_ =	swait.ge [sflag:s3], $0xC000  }
0xbc: {  	[sflag:s3] =	ssyncset.done $0x0  }
0xbd: {  	s7 =	sadd.s32 $0xFFFFFFFF, s7;
	[sflag:s3] =	ssyncadd.s32 $0xFFFF4000  }
0xbe: {  	_ =	sfence.sel $0x180000  }
0xbf: {  	[bflag:$0x0] =	sbarrier.arrive $0xFFFF  }
0xc0: {  	_ =	strace $0x90000047  }
0xc1: {  	s0 =	stileid.u32;
	[bflag:$0x2] =	sbarrier.arrive $0xFFFF  }
0xc2: {  	p0 =	sne.s32 s0, $0x0;
	s0 =	rddreg [dreg:$0x2]  }
0xc3: {  	s0 =	sadd.s32 @!p0 $0x100000, s0  }
0xc4: {  	[sflag:s0] =	ssyncadd.tile.s32 @!p0 $0x1;
	_ =	shalt  }
.Lfunc_end2:
_tile_overlayer_lowered:
.L_overlay_start_2:
0xc5: {  	(tag) =	ssettag $0x2  }
0xc6: {  	s0 =	rddreg [dreg:$0x0];
	s2 =	stileid.u32  }
0xc7: {  	s1 =	rddreg [dreg:$0x1];
	p0 =	sne.s32 s2, $0x0  }
0xc8: {  	s3 =	rddreg [dreg:$0x2];
	[bflag:$0x3] =	sbarrier.arrive $0xFFFF;
	s2 =	simm.s32 @!p0 $0x1C02  }
0xc9: {  	[timem:s3], [sflag:s2] =	dma.local @!p0 [hbm:s0], s1  }
0xca: {  	s0 =	simm.s32 @!p0 $0x2  }
0xcb: {  	_ =	swait.ge @!p0 [sflag:s0], s1  }
0xcc: {  	s1 =	ssub.s32 @!p0 $0x0, s1;
	[sflag:s0] =	ssyncset.done @!p0 $0x0  }
0xcd: {  	[sflag:s0] =	ssyncadd.s32 @!p0 s1  }
0xce: {  	[bflag:$0x3] =	sbarrier.arrive $0xFFFF  }
0xcf: {  	_ =	shalt  }

</sc_bundles>
